<compile_context>
chip_gen: v7x
topology: tpu7x:2x2x1
jax: 0.10.2.dev20260603
libtpu: 0.0.44.dev20260713+nightly
codegen_flags: <defaults>
</compile_context>

<pallas_src>
import jax
import jax.numpy as jnp
from jax import lax
from jax.experimental import pallas as pl
from jax.experimental.pallas import tpu as pltpu
from jax.experimental.pallas import tpu_sc as plsc

B, C, N, M = 16, 256, 16384, 4096
NC, NS, L = 2, 16, 16
NW = NC * NS
ROWS_PER_W = (B * C) // NW
C_PER_W = C // (NW // B)
NBUF = 4


def _gather_body(features_hbm, indices_hbm, out_hbm, idx_v, row_v, res_v,
                 *sems):
    wid = lax.axis_index("s") * NC + lax.axis_index("c")
    b = wid // (NW // B)
    c0 = (wid % (NW // B)) * C_PER_W
    sins = sems[:NBUF]
    souts = sems[NBUF:]

    pltpu.sync_copy(indices_hbm.at[b], idx_v)

    def in_copy(r, buf):
        return pltpu.make_async_copy(
            features_hbm.at[b, c0 + r], row_v.at[pl.ds(buf * N, N)],
            sins[buf])

    def out_copy(r, buf):
        return pltpu.make_async_copy(
            res_v.at[pl.ds(buf * M, M)], out_hbm.at[b, c0 + r], souts[buf])

    for buf in range(NBUF):
        in_copy(buf, buf).start()
        out_copy(buf, buf).start()

    def ring_step(i, carry):
        r0 = i * NBUF
        for buf in range(NBUF):
            r = r0 + buf
            in_copy(r, buf).wait()
            out_copy(r, buf).wait()

            @plsc.parallel_loop(0, M // L, unroll=8)
            def _gather(j):
                iv = idx_v[pl.ds(j * L, L)] + (buf * N)
                res_v[pl.ds(buf * M + j * L, L)] = plsc.load_gather(
                    row_v, [iv])

            out_copy(r, buf).start()

            @pl.when(r + NBUF < ROWS_PER_W)
            def _refill():
                in_copy(r + NBUF, buf).start()
        return carry

    lax.fori_loop(0, ROWS_PER_W // NBUF, ring_step, 0)

    for buf in range(NBUF):
        out_copy(0, buf).wait()


@jax.jit
def kernel(features, indices):
    idx32 = indices.astype(jnp.int32)
    mesh = plsc.VectorSubcoreMesh(core_axis_name="c", subcore_axis_name="s")
    run = pl.kernel(
        _gather_body,
        out_type=jax.ShapeDtypeStruct((B, C, M), jnp.float32),
        mesh=mesh,
        scratch_types=(
            [pltpu.VMEM((M,), jnp.int32),
             pltpu.VMEM((NBUF * N,), jnp.float32),
             pltpu.VMEM((NBUF * M,), jnp.float32)]
            + [pltpu.SemaphoreType.DMA] * (2 * NBUF)
        ),
        compiler_params=pltpu.CompilerParams(needs_layout_passes=False),
    )
    return run(features, idx32)

# --- scband reference (transcript-rebuilt; emitter-appended) ---
"""Pipeline reference for scband-gather-points-50792283242662 (READ-ONLY COPY).

The authoritative reference and input builder live on the scoring server;
editing this copy changes nothing except your own understanding.
"""

import jax, jax.numpy as jnp
import numpy as np


def setup_inputs(seed: int = 0) -> dict:
    key = jax.random.key(seed)
    k1, k2 = jax.random.split(key)
    features = jax.random.normal(k1, (16, 256, 16384), dtype=jnp.float32)
    indices = jax.random.randint(k2, (16, 4096), 0, 16384, dtype=jnp.int64)
    return {"features": features, "indices": indices}


def reference(features, indices):
    # features: [B, C, N], indices: [B, M] -> out: [B, C, M]
    B, C, N = features.shape
    M = indices.shape[-1]
    idx = jnp.broadcast_to(indices[:, None, :], (B, C, M))
    out = jnp.take_along_axis(features, idx, axis=2)
    return out

if __name__ == "__main__":
    import jax
    _d = setup_inputs()
    print(jax.jit(kernel)(*tuple(_d.values())))

</pallas_src>

<mosaic_0001>
#map = affine_map<(d0, d1) -> (0, 0, 0)>
#map1 = affine_map<(d0, d1) -> (0, 0)>
module attributes {stable_mosaic.version = 14 : i64} {
  func.func @_gather_body(%arg0: i32, %arg1: i32, %arg2: memref<16x256x16384xf32, #tpu.memory_space<hbm>>, %arg3: memref<16x4096xi32, #tpu.memory_space<hbm>>, %arg4: memref<16x256x4096xf32, #tpu.memory_space<hbm>>, %arg5: memref<4096xi32, #tpu.memory_space<vmem>>, %arg6: memref<65536xf32, #tpu.memory_space<vmem>>, %arg7: memref<16384xf32, #tpu.memory_space<vmem>>, %arg8: memref<!tpu.dma_semaphore, #tpu.memory_space<semaphore_mem>>, %arg9: memref<!tpu.dma_semaphore, #tpu.memory_space<semaphore_mem>>, %arg10: memref<!tpu.dma_semaphore, #tpu.memory_space<semaphore_mem>>, %arg11: memref<!tpu.dma_semaphore, #tpu.memory_space<semaphore_mem>>, %arg12: memref<!tpu.dma_semaphore, #tpu.memory_space<semaphore_mem>>, %arg13: memref<!tpu.dma_semaphore, #tpu.memory_space<semaphore_mem>>, %arg14: memref<!tpu.dma_semaphore, #tpu.memory_space<semaphore_mem>>, %arg15: memref<!tpu.dma_semaphore, #tpu.memory_space<semaphore_mem>>) attributes {dimension_semantics = [#tpu.dimension_semantics<core_parallel>, #tpu.dimension_semantics<subcore_parallel>], iteration_bounds = array<i64: 2, 16>, scalar_prefetch = 0 : i64, scratch_operands = 11 : i64, tpu.core_type = #tpu.core_type<sc_vector_subcore>, window_params = [{transform_indices = #map}, {transform_indices = #map1}, {transform_indices = #map}]} {
    %mul3A = arith.constant 2 : i32
    %mul3A_0 = arith.muli %arg1, %mul3A : i32
    %add3A = arith.addi %mul3A_0, %arg0 : i32
    %jit3A = arith.constant 2 : i32
    %div3A = arith.divsi %add3A, %jit3A : i32
    %sign3A = arith.constant 0 : i32
    %sign3A_1 = arith.cmpi sgt, %add3A, %sign3A : i32
    %sign3A_2 = arith.extui %sign3A_1 : i1 to i32
    %sign3A_3 = arith.constant 0 : i32
    %sign3A_4 = arith.cmpi slt, %add3A, %sign3A_3 : i32
    %sign3A_5 = arith.extui %sign3A_4 : i1 to i32
    %sign3A_6 = arith.subi %sign3A_2, %sign3A_5 : i32
    %sign3A_7 = arith.constant 0 : i32
    %sign3A_8 = arith.cmpi sgt, %jit3A, %sign3A_7 : i32
    %sign3A_9 = arith.extui %sign3A_8 : i1 to i32
    %sign3A_10 = arith.constant 0 : i32
    %sign3A_11 = arith.cmpi slt, %jit3A, %sign3A_10 : i32
    %sign3A_12 = arith.extui %sign3A_11 : i1 to i32
    %sign3A_13 = arith.subi %sign3A_9, %sign3A_12 : i32
    %ne3A = arith.cmpi ne, %sign3A_6, %sign3A_13 : i32
    %rem3A = arith.remsi %add3A, %jit3A : i32
    %ne3A_14 = arith.constant 0 : i32
    %ne3A_15 = arith.cmpi ne, %rem3A, %ne3A_14 : i32
    %and3A = arith.andi %ne3A, %ne3A_15 : i1
    %sub3A = arith.constant 1 : i32
    %sub3A_16 = arith.subi %div3A, %sub3A : i32
    %select_n3A = arith.select %and3A, %sub3A_16, %div3A : i32
    %jit3A_17 = arith.constant 2 : i32
    %eq3A = arith.constant 0 : i32
    %eq3A_18 = arith.cmpi eq, %jit3A_17, %eq3A : i32
    %jit3A_19 = arith.constant 1 : i32
    %select_n3A_20 = arith.select %eq3A_18, %jit3A_19, %jit3A_17 : i32
    %rem3A_21 = arith.remsi %add3A, %select_n3A_20 : i32
    %ne3A_22 = arith.constant 0 : i32
    %ne3A_23 = arith.cmpi ne, %rem3A_21, %ne3A_22 : i32
    %lt3A = arith.constant 0 : i32
    %lt3A_24 = arith.cmpi slt, %rem3A_21, %lt3A : i32
    %lt3A_25 = arith.constant 0 : i32
    %lt3A_26 = arith.cmpi slt, %select_n3A_20, %lt3A_25 : i32
    %ne3A_27 = arith.xori %lt3A_24, %lt3A_26 : i1
    %and3A_28 = arith.andi %ne3A_27, %ne3A_23 : i1
    %add3A_29 = arith.addi %rem3A_21, %select_n3A_20 : i32
    %select_n3A_30 = arith.select %and3A_28, %add3A_29, %rem3A_21 : i32
    %mul3A_31 = arith.constant 128 : i32
    %mul3A_32 = arith.muli %select_n3A_30, %mul3A_31 : i32
    "tpu.region"() ({
      %run_scoped3A = tpu.sem_alloc : memref<!tpu.dma_semaphore, #tpu.memory_space<semaphore_mem>>
      %dma_start3A_180 = arith.constant 0 : i32
      %dma_start3A_181 = tpu.memref_slice %arg3[%select_n3A, %dma_start3A_180] : memref<16x4096xi32, #tpu.memory_space<hbm>> -> memref<1x4096xi32, #tpu.memory_space<hbm>>
      %dma_start3A_182 = tpu.memref_squeeze %dma_start3A_181 : memref<1x4096xi32, #tpu.memory_space<hbm>> -> memref<4096xi32, #tpu.memory_space<hbm>>
      %dma_start3A_183 = arith.constant 0 : i32
      %dma_start3A_184 = tpu.memref_slice %arg3[%select_n3A, %dma_start3A_183] : memref<16x4096xi32, #tpu.memory_space<hbm>> -> memref<1x4096xi32, #tpu.memory_space<hbm>>
      %dma_start3A_185 = tpu.memref_squeeze %dma_start3A_184 : memref<1x4096xi32, #tpu.memory_space<hbm>> -> memref<4096xi32, #tpu.memory_space<hbm>>
      tpu.enqueue_dma source(%dma_start3A_185 : memref<4096xi32, #tpu.memory_space<hbm>>) target(%arg5 : memref<4096xi32, #tpu.memory_space<vmem>>) target_semaphore(%run_scoped3A : memref<!tpu.dma_semaphore, #tpu.memory_space<semaphore_mem>>)
      %dma_wait3A_186 = arith.constant 0 : i32
      %dma_wait3A_187 = tpu.memref_slice %arg3[%select_n3A, %dma_wait3A_186] : memref<16x4096xi32, #tpu.memory_space<hbm>> -> memref<1x4096xi32, #tpu.memory_space<hbm>>
      %dma_wait3A_188 = tpu.memref_squeeze %dma_wait3A_187 : memref<1x4096xi32, #tpu.memory_space<hbm>> -> memref<4096xi32, #tpu.memory_space<hbm>>
      %dma_wait3A_189 = arith.constant 0 : i32
      %dma_wait3A_190 = tpu.memref_slice %arg3[%select_n3A, %dma_wait3A_189] : memref<16x4096xi32, #tpu.memory_space<hbm>> -> memref<1x4096xi32, #tpu.memory_space<hbm>>
      %dma_wait3A_191 = tpu.memref_squeeze %dma_wait3A_190 : memref<1x4096xi32, #tpu.memory_space<hbm>> -> memref<4096xi32, #tpu.memory_space<hbm>>
      tpu.wait_dma2 semaphore(%run_scoped3A : memref<!tpu.dma_semaphore, #tpu.memory_space<semaphore_mem>>) src(%dma_wait3A_191 : memref<4096xi32, #tpu.memory_space<hbm>>) dst(%arg5 : memref<4096xi32, #tpu.memory_space<vmem>>)
      tpu.yield
    }) : () -> ()
    %add3A_33 = arith.constant 0 : i32
    %add3A_34 = arith.addi %mul3A_32, %add3A_33 : i32
    %dma_start3A = arith.constant 0 : i32
    %dma_start3A_35 = tpu.memref_slice %arg6[%dma_start3A] : memref<65536xf32, #tpu.memory_space<vmem>> -> memref<16384xf32, #tpu.memory_space<vmem>>
    %dma_start3A_36 = arith.constant 0 : i32
    %dma_start3A_37 = tpu.memref_slice %arg2[%select_n3A, %add3A_34, %dma_start3A_36] : memref<16x256x16384xf32, #tpu.memory_space<hbm>> -> memref<1x1x16384xf32, #tpu.memory_space<hbm>>
    %dma_start3A_38 = tpu.memref_squeeze %dma_start3A_37 : memref<1x1x16384xf32, #tpu.memory_space<hbm>> -> memref<16384xf32, #tpu.memory_space<hbm>>
    %dma_start3A_39 = arith.constant 0 : i32
    %dma_start3A_40 = tpu.memref_slice %arg6[%dma_start3A_39] : memref<65536xf32, #tpu.memory_space<vmem>> -> memref<16384xf32, #tpu.memory_space<vmem>>
    %dma_start3A_41 = arith.constant 0 : i32
    %dma_start3A_42 = tpu.memref_slice %arg2[%select_n3A, %add3A_34, %dma_start3A_41] : memref<16x256x16384xf32, #tpu.memory_space<hbm>> -> memref<1x1x16384xf32, #tpu.memory_space<hbm>>
    %dma_start3A_43 = tpu.memref_squeeze %dma_start3A_42 : memref<1x1x16384xf32, #tpu.memory_space<hbm>> -> memref<16384xf32, #tpu.memory_space<hbm>>
    tpu.enqueue_dma source(%dma_start3A_43 : memref<16384xf32, #tpu.memory_space<hbm>>) target(%dma_start3A_40 : memref<16384xf32, #tpu.memory_space<vmem>>) target_semaphore(%arg8 : memref<!tpu.dma_semaphore, #tpu.memory_space<semaphore_mem>>)
    %add3A_44 = arith.constant 0 : i32
    %add3A_45 = arith.addi %mul3A_32, %add3A_44 : i32
    %dma_start3A_46 = arith.constant 0 : i32
    %dma_start3A_47 = tpu.memref_slice %arg7[%dma_start3A_46] : memref<16384xf32, #tpu.memory_space<vmem>> -> memref<4096xf32, #tpu.memory_space<vmem>>
    %dma_start3A_48 = arith.constant 0 : i32
    %dma_start3A_49 = tpu.memref_slice %arg4[%select_n3A, %add3A_45, %dma_start3A_48] : memref<16x256x4096xf32, #tpu.memory_space<hbm>> -> memref<1x1x4096xf32, #tpu.memory_space<hbm>>
    %dma_start3A_50 = tpu.memref_squeeze %dma_start3A_49 : memref<1x1x4096xf32, #tpu.memory_space<hbm>> -> memref<4096xf32, #tpu.memory_space<hbm>>
    %dma_start3A_51 = arith.constant 0 : i32
    %dma_start3A_52 = tpu.memref_slice %arg4[%select_n3A, %add3A_45, %dma_start3A_51] : memref<16x256x4096xf32, #tpu.memory_space<hbm>> -> memref<1x1x4096xf32, #tpu.memory_space<hbm>>
    %dma_start3A_53 = tpu.memref_squeeze %dma_start3A_52 : memref<1x1x4096xf32, #tpu.memory_space<hbm>> -> memref<4096xf32, #tpu.memory_space<hbm>>
    %dma_start3A_54 = arith.constant 0 : i32
    %dma_start3A_55 = tpu.memref_slice %arg7[%dma_start3A_54] : memref<16384xf32, #tpu.memory_space<vmem>> -> memref<4096xf32, #tpu.memory_space<vmem>>
    tpu.enqueue_dma source(%dma_start3A_55 : memref<4096xf32, #tpu.memory_space<vmem>>) target(%dma_start3A_53 : memref<4096xf32, #tpu.memory_space<hbm>>) target_semaphore(%arg12 : memref<!tpu.dma_semaphore, #tpu.memory_space<semaphore_mem>>)
    %add3A_56 = arith.constant 1 : i32
    %add3A_57 = arith.addi %mul3A_32, %add3A_56 : i32
    %dma_start3A_58 = arith.constant 16384 : i32
    %dma_start3A_59 = tpu.memref_slice %arg6[%dma_start3A_58] : memref<65536xf32, #tpu.memory_space<vmem>> -> memref<16384xf32, #tpu.memory_space<vmem>>
    %dma_start3A_60 = arith.constant 0 : i32
    %dma_start3A_61 = tpu.memref_slice %arg2[%select_n3A, %add3A_57, %dma_start3A_60] : memref<16x256x16384xf32, #tpu.memory_space<hbm>> -> memref<1x1x16384xf32, #tpu.memory_space<hbm>>
    %dma_start3A_62 = tpu.memref_squeeze %dma_start3A_61 : memref<1x1x16384xf32, #tpu.memory_space<hbm>> -> memref<16384xf32, #tpu.memory_space<hbm>>
    %dma_start3A_63 = arith.constant 16384 : i32
    %dma_start3A_64 = tpu.memref_slice %arg6[%dma_start3A_63] : memref<65536xf32, #tpu.memory_space<vmem>> -> memref<16384xf32, #tpu.memory_space<vmem>>
    %dma_start3A_65 = arith.constant 0 : i32
    %dma_start3A_66 = tpu.memref_slice %arg2[%select_n3A, %add3A_57, %dma_start3A_65] : memref<16x256x16384xf32, #tpu.memory_space<hbm>> -> memref<1x1x16384xf32, #tpu.memory_space<hbm>>
    %dma_start3A_67 = tpu.memref_squeeze %dma_start3A_66 : memref<1x1x16384xf32, #tpu.memory_space<hbm>> -> memref<16384xf32, #tpu.memory_space<hbm>>
    tpu.enqueue_dma source(%dma_start3A_67 : memref<16384xf32, #tpu.memory_space<hbm>>) target(%dma_start3A_64 : memref<16384xf32, #tpu.memory_space<vmem>>) target_semaphore(%arg9 : memref<!tpu.dma_semaphore, #tpu.memory_space<semaphore_mem>>)
    %add3A_68 = arith.constant 1 : i32
    %add3A_69 = arith.addi %mul3A_32, %add3A_68 : i32
    %dma_start3A_70 = arith.constant 4096 : i32
    %dma_start3A_71 = tpu.memref_slice %arg7[%dma_start3A_70] : memref<16384xf32, #tpu.memory_space<vmem>> -> memref<4096xf32, #tpu.memory_space<vmem>>
    %dma_start3A_72 = arith.constant 0 : i32
    %dma_start3A_73 = tpu.memref_slice %arg4[%select_n3A, %add3A_69, %dma_start3A_72] : memref<16x256x4096xf32, #tpu.memory_space<hbm>> -> memref<1x1x4096xf32, #tpu.memory_space<hbm>>
    %dma_start3A_74 = tpu.memref_squeeze %dma_start3A_73 : memref<1x1x4096xf32, #tpu.memory_space<hbm>> -> memref<4096xf32, #tpu.memory_space<hbm>>
    %dma_start3A_75 = arith.constant 0 : i32
    %dma_start3A_76 = tpu.memref_slice %arg4[%select_n3A, %add3A_69, %dma_start3A_75] : memref<16x256x4096xf32, #tpu.memory_space<hbm>> -> memref<1x1x4096xf32, #tpu.memory_space<hbm>>
    %dma_start3A_77 = tpu.memref_squeeze %dma_start3A_76 : memref<1x1x4096xf32, #tpu.memory_space<hbm>> -> memref<4096xf32, #tpu.memory_space<hbm>>
    %dma_start3A_78 = arith.constant 4096 : i32
    %dma_start3A_79 = tpu.memref_slice %arg7[%dma_start3A_78] : memref<16384xf32, #tpu.memory_space<vmem>> -> memref<4096xf32, #tpu.memory_space<vmem>>
    tpu.enqueue_dma source(%dma_start3A_79 : memref<4096xf32, #tpu.memory_space<vmem>>) target(%dma_start3A_77 : memref<4096xf32, #tpu.memory_space<hbm>>) target_semaphore(%arg13 : memref<!tpu.dma_semaphore, #tpu.memory_space<semaphore_mem>>)
    %add3A_80 = arith.constant 2 : i32
    %add3A_81 = arith.addi %mul3A_32, %add3A_80 : i32
    %dma_start3A_82 = arith.constant 32768 : i32
    %dma_start3A_83 = tpu.memref_slice %arg6[%dma_start3A_82] : memref<65536xf32, #tpu.memory_space<vmem>> -> memref<16384xf32, #tpu.memory_space<vmem>>
    %dma_start3A_84 = arith.constant 0 : i32
    %dma_start3A_85 = tpu.memref_slice %arg2[%select_n3A, %add3A_81, %dma_start3A_84] : memref<16x256x16384xf32, #tpu.memory_space<hbm>> -> memref<1x1x16384xf32, #tpu.memory_space<hbm>>
    %dma_start3A_86 = tpu.memref_squeeze %dma_start3A_85 : memref<1x1x16384xf32, #tpu.memory_space<hbm>> -> memref<16384xf32, #tpu.memory_space<hbm>>
    %dma_start3A_87 = arith.constant 32768 : i32
    %dma_start3A_88 = tpu.memref_slice %arg6[%dma_start3A_87] : memref<65536xf32, #tpu.memory_space<vmem>> -> memref<16384xf32, #tpu.memory_space<vmem>>
    %dma_start3A_89 = arith.constant 0 : i32
    %dma_start3A_90 = tpu.memref_slice %arg2[%select_n3A, %add3A_81, %dma_start3A_89] : memref<16x256x16384xf32, #tpu.memory_space<hbm>> -> memref<1x1x16384xf32, #tpu.memory_space<hbm>>
    %dma_start3A_91 = tpu.memref_squeeze %dma_start3A_90 : memref<1x1x16384xf32, #tpu.memory_space<hbm>> -> memref<16384xf32, #tpu.memory_space<hbm>>
    tpu.enqueue_dma source(%dma_start3A_91 : memref<16384xf32, #tpu.memory_space<hbm>>) target(%dma_start3A_88 : memref<16384xf32, #tpu.memory_space<vmem>>) target_semaphore(%arg10 : memref<!tpu.dma_semaphore, #tpu.memory_space<semaphore_mem>>)
    %add3A_92 = arith.constant 2 : i32
    %add3A_93 = arith.addi %mul3A_32, %add3A_92 : i32
    %dma_start3A_94 = arith.constant 8192 : i32
    %dma_start3A_95 = tpu.memref_slice %arg7[%dma_start3A_94] : memref<16384xf32, #tpu.memory_space<vmem>> -> memref<4096xf32, #tpu.memory_space<vmem>>
    %dma_start3A_96 = arith.constant 0 : i32
    %dma_start3A_97 = tpu.memref_slice %arg4[%select_n3A, %add3A_93, %dma_start3A_96] : memref<16x256x4096xf32, #tpu.memory_space<hbm>> -> memref<1x1x4096xf32, #tpu.memory_space<hbm>>
    %dma_start3A_98 = tpu.memref_squeeze %dma_start3A_97 : memref<1x1x4096xf32, #tpu.memory_space<hbm>> -> memref<4096xf32, #tpu.memory_space<hbm>>
    %dma_start3A_99 = arith.constant 0 : i32
    %dma_start3A_100 = tpu.memref_slice %arg4[%select_n3A, %add3A_93, %dma_start3A_99] : memref<16x256x4096xf32, #tpu.memory_space<hbm>> -> memref<1x1x4096xf32, #tpu.memory_space<hbm>>
    %dma_start3A_101 = tpu.memref_squeeze %dma_start3A_100 : memref<1x1x4096xf32, #tpu.memory_space<hbm>> -> memref<4096xf32, #tpu.memory_space<hbm>>
    %dma_start3A_102 = arith.constant 8192 : i32
    %dma_start3A_103 = tpu.memref_slice %arg7[%dma_start3A_102] : memref<16384xf32, #tpu.memory_space<vmem>> -> memref<4096xf32, #tpu.memory_space<vmem>>
    tpu.enqueue_dma source(%dma_start3A_103 : memref<4096xf32, #tpu.memory_space<vmem>>) target(%dma_start3A_101 : memref<4096xf32, #tpu.memory_space<hbm>>) target_semaphore(%arg14 : memref<!tpu.dma_semaphore, #tpu.memory_space<semaphore_mem>>)
    %add3A_104 = arith.constant 3 : i32
    %add3A_105 = arith.addi %mul3A_32, %add3A_104 : i32
    %dma_start3A_106 = arith.constant 49152 : i32
    %dma_start3A_107 = tpu.memref_slice %arg6[%dma_start3A_106] : memref<65536xf32, #tpu.memory_space<vmem>> -> memref<16384xf32, #tpu.memory_space<vmem>>
    %dma_start3A_108 = arith.constant 0 : i32
    %dma_start3A_109 = tpu.memref_slice %arg2[%select_n3A, %add3A_105, %dma_start3A_108] : memref<16x256x16384xf32, #tpu.memory_space<hbm>> -> memref<1x1x16384xf32, #tpu.memory_space<hbm>>
    %dma_start3A_110 = tpu.memref_squeeze %dma_start3A_109 : memref<1x1x16384xf32, #tpu.memory_space<hbm>> -> memref<16384xf32, #tpu.memory_space<hbm>>
    %dma_start3A_111 = arith.constant 49152 : i32
    %dma_start3A_112 = tpu.memref_slice %arg6[%dma_start3A_111] : memref<65536xf32, #tpu.memory_space<vmem>> -> memref<16384xf32, #tpu.memory_space<vmem>>
    %dma_start3A_113 = arith.constant 0 : i32
    %dma_start3A_114 = tpu.memref_slice %arg2[%select_n3A, %add3A_105, %dma_start3A_113] : memref<16x256x16384xf32, #tpu.memory_space<hbm>> -> memref<1x1x16384xf32, #tpu.memory_space<hbm>>
    %dma_start3A_115 = tpu.memref_squeeze %dma_start3A_114 : memref<1x1x16384xf32, #tpu.memory_space<hbm>> -> memref<16384xf32, #tpu.memory_space<hbm>>
    tpu.enqueue_dma source(%dma_start3A_115 : memref<16384xf32, #tpu.memory_space<hbm>>) target(%dma_start3A_112 : memref<16384xf32, #tpu.memory_space<vmem>>) target_semaphore(%arg11 : memref<!tpu.dma_semaphore, #tpu.memory_space<semaphore_mem>>)
    %add3A_116 = arith.constant 3 : i32
    %add3A_117 = arith.addi %mul3A_32, %add3A_116 : i32
    %dma_start3A_118 = arith.constant 12288 : i32
    %dma_start3A_119 = tpu.memref_slice %arg7[%dma_start3A_118] : memref<16384xf32, #tpu.memory_space<vmem>> -> memref<4096xf32, #tpu.memory_space<vmem>>
    %dma_start3A_120 = arith.constant 0 : i32
    %dma_start3A_121 = tpu.memref_slice %arg4[%select_n3A, %add3A_117, %dma_start3A_120] : memref<16x256x4096xf32, #tpu.memory_space<hbm>> -> memref<1x1x4096xf32, #tpu.memory_space<hbm>>
    %dma_start3A_122 = tpu.memref_squeeze %dma_start3A_121 : memref<1x1x4096xf32, #tpu.memory_space<hbm>> -> memref<4096xf32, #tpu.memory_space<hbm>>
    %dma_start3A_123 = arith.constant 0 : i32
    %dma_start3A_124 = tpu.memref_slice %arg4[%select_n3A, %add3A_117, %dma_start3A_123] : memref<16x256x4096xf32, #tpu.memory_space<hbm>> -> memref<1x1x4096xf32, #tpu.memory_space<hbm>>
    %dma_start3A_125 = tpu.memref_squeeze %dma_start3A_124 : memref<1x1x4096xf32, #tpu.memory_space<hbm>> -> memref<4096xf32, #tpu.memory_space<hbm>>
    %dma_start3A_126 = arith.constant 12288 : i32
    %dma_start3A_127 = tpu.memref_slice %arg7[%dma_start3A_126] : memref<16384xf32, #tpu.memory_space<vmem>> -> memref<4096xf32, #tpu.memory_space<vmem>>
    tpu.enqueue_dma source(%dma_start3A_127 : memref<4096xf32, #tpu.memory_space<vmem>>) target(%dma_start3A_125 : memref<4096xf32, #tpu.memory_space<hbm>>) target_semaphore(%arg15 : memref<!tpu.dma_semaphore, #tpu.memory_space<semaphore_mem>>)
    %scan3A = arith.constant 0 : i32
    %scan3A_128 = arith.constant 0 : i32
    %scan3A_129 = arith.constant 32 : i32
    %scan3A_130 = arith.addi %scan3A_128, %scan3A_129 : i32
    %scan3A_131 = arith.constant 1 : i32
    scf.for %scan3A_180 = %scan3A_128 to %scan3A_130 step %scan3A_131  : i32 {
      %mul3A_181 = arith.constant 4 : i32
      %mul3A_182 = arith.muli %scan3A_180, %mul3A_181 : i32
      %add3A_183 = arith.constant 0 : i32
      %add3A_184 = arith.addi %mul3A_182, %add3A_183 : i32
      %add3A_185 = arith.addi %mul3A_32, %add3A_184 : i32
      %dma_wait3A_186 = arith.constant 0 : i32
      %dma_wait3A_187 = tpu.memref_slice %arg6[%dma_wait3A_186] : memref<65536xf32, #tpu.memory_space<vmem>> -> memref<16384xf32, #tpu.memory_space<vmem>>
      %dma_wait3A_188 = arith.constant 0 : i32
      %dma_wait3A_189 = tpu.memref_slice %arg2[%select_n3A, %add3A_185, %dma_wait3A_188] : memref<16x256x16384xf32, #tpu.memory_space<hbm>> -> memref<1x1x16384xf32, #tpu.memory_space<hbm>>
      %dma_wait3A_190 = tpu.memref_squeeze %dma_wait3A_189 : memref<1x1x16384xf32, #tpu.memory_space<hbm>> -> memref<16384xf32, #tpu.memory_space<hbm>>
      %dma_wait3A_191 = arith.constant 0 : i32
      %dma_wait3A_192 = tpu.memref_slice %arg6[%dma_wait3A_191] : memref<65536xf32, #tpu.memory_space<vmem>> -> memref<16384xf32, #tpu.memory_space<vmem>>
      %dma_wait3A_193 = arith.constant 0 : i32
      %dma_wait3A_194 = tpu.memref_slice %arg2[%select_n3A, %add3A_185, %dma_wait3A_193] : memref<16x256x16384xf32, #tpu.memory_space<hbm>> -> memref<1x1x16384xf32, #tpu.memory_space<hbm>>
      %dma_wait3A_195 = tpu.memref_squeeze %dma_wait3A_194 : memref<1x1x16384xf32, #tpu.memory_space<hbm>> -> memref<16384xf32, #tpu.memory_space<hbm>>
      tpu.wait_dma2 semaphore(%arg8 : memref<!tpu.dma_semaphore, #tpu.memory_space<semaphore_mem>>) src(%dma_wait3A_195 : memref<16384xf32, #tpu.memory_space<hbm>>) dst(%dma_wait3A_192 : memref<16384xf32, #tpu.memory_space<vmem>>)
      %add3A_196 = arith.addi %mul3A_32, %add3A_184 : i32
      %dma_wait3A_197 = arith.constant 0 : i32
      %dma_wait3A_198 = tpu.memref_slice %arg7[%dma_wait3A_197] : memref<16384xf32, #tpu.memory_space<vmem>> -> memref<4096xf32, #tpu.memory_space<vmem>>
      %dma_wait3A_199 = arith.constant 0 : i32
      %dma_wait3A_200 = tpu.memref_slice %arg4[%select_n3A, %add3A_196, %dma_wait3A_199] : memref<16x256x4096xf32, #tpu.memory_space<hbm>> -> memref<1x1x4096xf32, #tpu.memory_space<hbm>>
      %dma_wait3A_201 = tpu.memref_squeeze %dma_wait3A_200 : memref<1x1x4096xf32, #tpu.memory_space<hbm>> -> memref<4096xf32, #tpu.memory_space<hbm>>
      %dma_wait3A_202 = arith.constant 0 : i32
      %dma_wait3A_203 = tpu.memref_slice %arg4[%select_n3A, %add3A_196, %dma_wait3A_202] : memref<16x256x4096xf32, #tpu.memory_space<hbm>> -> memref<1x1x4096xf32, #tpu.memory_space<hbm>>
      %dma_wait3A_204 = tpu.memref_squeeze %dma_wait3A_203 : memref<1x1x4096xf32, #tpu.memory_space<hbm>> -> memref<4096xf32, #tpu.memory_space<hbm>>
      %dma_wait3A_205 = arith.constant 0 : i32
      %dma_wait3A_206 = tpu.memref_slice %arg7[%dma_wait3A_205] : memref<16384xf32, #tpu.memory_space<vmem>> -> memref<4096xf32, #tpu.memory_space<vmem>>
      tpu.wait_dma2 semaphore(%arg12 : memref<!tpu.dma_semaphore, #tpu.memory_space<semaphore_mem>>) src(%dma_wait3A_206 : memref<4096xf32, #tpu.memory_space<vmem>>) dst(%dma_wait3A_204 : memref<4096xf32, #tpu.memory_space<hbm>>)
      %parallel_loop3A = arith.constant 0 : i32
      %parallel_loop3A_207 = arith.constant 256 : i32
      %parallel_loop3A_208 = arith.constant 1 : i32
      scf.for %parallel_loop3A_360 = %parallel_loop3A to %parallel_loop3A_207 step %parallel_loop3A_208  : i32 {
        %parallel_loop3A_361 = arith.constant 16 : i32
        %parallel_loop3A_362 = arith.muli %parallel_loop3A_360, %parallel_loop3A_361 : i32
        %parallel_loop3A_363 = arith.index_cast %parallel_loop3A_362 : i32 to index
        %parallel_loop3A_364 = tpu.vector_load %arg5[%parallel_loop3A_363] {strides = array<i32>} : memref<4096xi32, #tpu.memory_space<vmem>>, vector<16xi32>,
        %parallel_loop3A_365 = arith.constant 0 : i32
        %parallel_loop3A_366 = vector.broadcast %parallel_loop3A_365 : i32 to vector<16xi32>
        %parallel_loop3A_367 = arith.addi %parallel_loop3A_364, %parallel_loop3A_366 : vector<16xi32>
        %parallel_loop3A_368 = tpu.vector_load_idx %arg6[%parallel_loop3A_367] : memref<65536xf32, #tpu.memory_space<vmem>>[vector<16xi32>], vector<16xf32>,
        %parallel_loop3A_369 = arith.constant 16 : i32
        %parallel_loop3A_370 = arith.muli %parallel_loop3A_360, %parallel_loop3A_369 : i32
        %parallel_loop3A_371 = arith.constant 0 : i32
        %parallel_loop3A_372 = arith.addi %parallel_loop3A_371, %parallel_loop3A_370 : i32
        %parallel_loop3A_373 = arith.index_cast %parallel_loop3A_372 : i32 to index
        %parallel_loop3A_374 = tpu.vector_load %arg7[%parallel_loop3A_373] {strides = array<i32>} : memref<16384xf32, #tpu.memory_space<vmem>>, vector<16xf32>,
        tpu.vector_store %arg7[%parallel_loop3A_373], %parallel_loop3A_368 {strides = array<i32>} : memref<16384xf32, #tpu.memory_space<vmem>>, vector<16xf32>,
      } {sc.loop_unroll_factor = 8 : i64, sc.parallel_access}
      %add3A_209 = arith.addi %mul3A_32, %add3A_184 : i32
      %dma_start3A_210 = arith.constant 0 : i32
      %dma_start3A_211 = tpu.memref_slice %arg7[%dma_start3A_210] : memref<16384xf32, #tpu.memory_space<vmem>> -> memref<4096xf32, #tpu.memory_space<vmem>>
      %dma_start3A_212 = arith.constant 0 : i32
      %dma_start3A_213 = tpu.memref_slice %arg4[%select_n3A, %add3A_209, %dma_start3A_212] : memref<16x256x4096xf32, #tpu.memory_space<hbm>> -> memref<1x1x4096xf32, #tpu.memory_space<hbm>>
      %dma_start3A_214 = tpu.memref_squeeze %dma_start3A_213 : memref<1x1x4096xf32, #tpu.memory_space<hbm>> -> memref<4096xf32, #tpu.memory_space<hbm>>
      %dma_start3A_215 = arith.constant 0 : i32
      %dma_start3A_216 = tpu.memref_slice %arg4[%select_n3A, %add3A_209, %dma_start3A_215] : memref<16x256x4096xf32, #tpu.memory_space<hbm>> -> memref<1x1x4096xf32, #tpu.memory_space<hbm>>
      %dma_start3A_217 = tpu.memref_squeeze %dma_start3A_216 : memref<1x1x4096xf32, #tpu.memory_space<hbm>> -> memref<4096xf32, #tpu.memory_space<hbm>>
      %dma_start3A_218 = arith.constant 0 : i32
      %dma_start3A_219 = tpu.memref_slice %arg7[%dma_start3A_218] : memref<16384xf32, #tpu.memory_space<vmem>> -> memref<4096xf32, #tpu.memory_space<vmem>>
      tpu.enqueue_dma source(%dma_start3A_219 : memref<4096xf32, #tpu.memory_space<vmem>>) target(%dma_start3A_217 : memref<4096xf32, #tpu.memory_space<hbm>>) target_semaphore(%arg12 : memref<!tpu.dma_semaphore, #tpu.memory_space<semaphore_mem>>)
      %add3A_220 = arith.constant 4 : i32
      %add3A_221 = arith.addi %add3A_184, %add3A_220 : i32
      %lt3A_222 = arith.constant 128 : i32
      %lt3A_223 = arith.cmpi slt, %add3A_221, %lt3A_222 : i32
      %convert_element_type3A = arith.extui %lt3A_223 : i1 to i32
      %cond3A = arith.constant 0 : i32
      %cond3A_224 = arith.cmpi ne, %convert_element_type3A, %cond3A : i32
      scf.if %cond3A_224 {
        %add3A_360 = arith.constant 4 : i32
        %add3A_361 = arith.addi %add3A_184, %add3A_360 : i32
        %add3A_362 = arith.addi %mul3A_32, %add3A_361 : i32
        %dma_start3A_363 = arith.constant 0 : i32
        %dma_start3A_364 = tpu.memref_slice %arg6[%dma_start3A_363] : memref<65536xf32, #tpu.memory_space<vmem>> -> memref<16384xf32, #tpu.memory_space<vmem>>
        %dma_start3A_365 = arith.constant 0 : i32
        %dma_start3A_366 = tpu.memref_slice %arg2[%select_n3A, %add3A_362, %dma_start3A_365] : memref<16x256x16384xf32, #tpu.memory_space<hbm>> -> memref<1x1x16384xf32, #tpu.memory_space<hbm>>
        %dma_start3A_367 = tpu.memref_squeeze %dma_start3A_366 : memref<1x1x16384xf32, #tpu.memory_space<hbm>> -> memref<16384xf32, #tpu.memory_space<hbm>>
        %dma_start3A_368 = arith.constant 0 : i32
        %dma_start3A_369 = tpu.memref_slice %arg6[%dma_start3A_368] : memref<65536xf32, #tpu.memory_space<vmem>> -> memref<16384xf32, #tpu.memory_space<vmem>>
        %dma_start3A_370 = arith.constant 0 : i32
        %dma_start3A_371 = tpu.memref_slice %arg2[%select_n3A, %add3A_362, %dma_start3A_370] : memref<16x256x16384xf32, #tpu.memory_space<hbm>> -> memref<1x1x16384xf32, #tpu.memory_space<hbm>>
        %dma_start3A_372 = tpu.memref_squeeze %dma_start3A_371 : memref<1x1x16384xf32, #tpu.memory_space<hbm>> -> memref<16384xf32, #tpu.memory_space<hbm>>
        tpu.enqueue_dma source(%dma_start3A_372 : memref<16384xf32, #tpu.memory_space<hbm>>) target(%dma_start3A_369 : memref<16384xf32, #tpu.memory_space<vmem>>) target_semaphore(%arg8 : memref<!tpu.dma_semaphore, #tpu.memory_space<semaphore_mem>>)
      } else {
      }
      %add3A_225 = arith.constant 1 : i32
      %add3A_226 = arith.addi %mul3A_182, %add3A_225 : i32
      %add3A_227 = arith.addi %mul3A_32, %add3A_226 : i32
      %dma_wait3A_228 = arith.constant 16384 : i32
      %dma_wait3A_229 = tpu.memref_slice %arg6[%dma_wait3A_228] : memref<65536xf32, #tpu.memory_space<vmem>> -> memref<16384xf32, #tpu.memory_space<vmem>>
      %dma_wait3A_230 = arith.constant 0 : i32
      %dma_wait3A_231 = tpu.memref_slice %arg2[%select_n3A, %add3A_227, %dma_wait3A_230] : memref<16x256x16384xf32, #tpu.memory_space<hbm>> -> memref<1x1x16384xf32, #tpu.memory_space<hbm>>
      %dma_wait3A_232 = tpu.memref_squeeze %dma_wait3A_231 : memref<1x1x16384xf32, #tpu.memory_space<hbm>> -> memref<16384xf32, #tpu.memory_space<hbm>>
      %dma_wait3A_233 = arith.constant 16384 : i32
      %dma_wait3A_234 = tpu.memref_slice %arg6[%dma_wait3A_233] : memref<65536xf32, #tpu.memory_space<vmem>> -> memref<16384xf32, #tpu.memory_space<vmem>>
      %dma_wait3A_235 = arith.constant 0 : i32
      %dma_wait3A_236 = tpu.memref_slice %arg2[%select_n3A, %add3A_227, %dma_wait3A_235] : memref<16x256x16384xf32, #tpu.memory_space<hbm>> -> memref<1x1x16384xf32, #tpu.memory_space<hbm>>
      %dma_wait3A_237 = tpu.memref_squeeze %dma_wait3A_236 : memref<1x1x16384xf32, #tpu.memory_space<hbm>> -> memref<16384xf32, #tpu.memory_space<hbm>>
      tpu.wait_dma2 semaphore(%arg9 : memref<!tpu.dma_semaphore, #tpu.memory_space<semaphore_mem>>) src(%dma_wait3A_237 : memref<16384xf32, #tpu.memory_space<hbm>>) dst(%dma_wait3A_234 : memref<16384xf32, #tpu.memory_space<vmem>>)
      %add3A_238 = arith.addi %mul3A_32, %add3A_226 : i32
      %dma_wait3A_239 = arith.constant 4096 : i32
      %dma_wait3A_240 = tpu.memref_slice %arg7[%dma_wait3A_239] : memref<16384xf32, #tpu.memory_space<vmem>> -> memref<4096xf32, #tpu.memory_space<vmem>>
      %dma_wait3A_241 = arith.constant 0 : i32
      %dma_wait3A_242 = tpu.memref_slice %arg4[%select_n3A, %add3A_238, %dma_wait3A_241] : memref<16x256x4096xf32, #tpu.memory_space<hbm>> -> memref<1x1x4096xf32, #tpu.memory_space<hbm>>
      %dma_wait3A_243 = tpu.memref_squeeze %dma_wait3A_242 : memref<1x1x4096xf32, #tpu.memory_space<hbm>> -> memref<4096xf32, #tpu.memory_space<hbm>>
      %dma_wait3A_244 = arith.constant 0 : i32
      %dma_wait3A_245 = tpu.memref_slice %arg4[%select_n3A, %add3A_238, %dma_wait3A_244] : memref<16x256x4096xf32, #tpu.memory_space<hbm>> -> memref<1x1x4096xf32, #tpu.memory_space<hbm>>
      %dma_wait3A_246 = tpu.memref_squeeze %dma_wait3A_245 : memref<1x1x4096xf32, #tpu.memory_space<hbm>> -> memref<4096xf32, #tpu.memory_space<hbm>>
      %dma_wait3A_247 = arith.constant 4096 : i32
      %dma_wait3A_248 = tpu.memref_slice %arg7[%dma_wait3A_247] : memref<16384xf32, #tpu.memory_space<vmem>> -> memref<4096xf32, #tpu.memory_space<vmem>>
      tpu.wait_dma2 semaphore(%arg13 : memref<!tpu.dma_semaphore, #tpu.memory_space<semaphore_mem>>) src(%dma_wait3A_248 : memref<4096xf32, #tpu.memory_space<vmem>>) dst(%dma_wait3A_246 : memref<4096xf32, #tpu.memory_space<hbm>>)
      %parallel_loop3A_249 = arith.constant 0 : i32
      %parallel_loop3A_250 = arith.constant 256 : i32
      %parallel_loop3A_251 = arith.constant 1 : i32
      scf.for %parallel_loop3A_360 = %parallel_loop3A_249 to %parallel_loop3A_250 step %parallel_loop3A_251  : i32 {
        %parallel_loop3A_361 = arith.constant 16 : i32
        %parallel_loop3A_362 = arith.muli %parallel_loop3A_360, %parallel_loop3A_361 : i32
        %parallel_loop3A_363 = arith.index_cast %parallel_loop3A_362 : i32 to index
        %parallel_loop3A_364 = tpu.vector_load %arg5[%parallel_loop3A_363] {strides = array<i32>} : memref<4096xi32, #tpu.memory_space<vmem>>, vector<16xi32>,
        %parallel_loop3A_365 = arith.constant 16384 : i32
        %parallel_loop3A_366 = vector.broadcast %parallel_loop3A_365 : i32 to vector<16xi32>
        %parallel_loop3A_367 = arith.addi %parallel_loop3A_364, %parallel_loop3A_366 : vector<16xi32>
        %parallel_loop3A_368 = tpu.vector_load_idx %arg6[%parallel_loop3A_367] : memref<65536xf32, #tpu.memory_space<vmem>>[vector<16xi32>], vector<16xf32>,
        %parallel_loop3A_369 = arith.constant 16 : i32
        %parallel_loop3A_370 = arith.muli %parallel_loop3A_360, %parallel_loop3A_369 : i32
        %parallel_loop3A_371 = arith.constant 4096 : i32
        %parallel_loop3A_372 = arith.addi %parallel_loop3A_371, %parallel_loop3A_370 : i32
        %parallel_loop3A_373 = arith.index_cast %parallel_loop3A_372 : i32 to index
        %parallel_loop3A_374 = tpu.vector_load %arg7[%parallel_loop3A_373] {strides = array<i32>} : memref<16384xf32, #tpu.memory_space<vmem>>, vector<16xf32>,
        tpu.vector_store %arg7[%parallel_loop3A_373], %parallel_loop3A_368 {strides = array<i32>} : memref<16384xf32, #tpu.memory_space<vmem>>, vector<16xf32>,
      } {sc.loop_unroll_factor = 8 : i64, sc.parallel_access}
      %add3A_252 = arith.addi %mul3A_32, %add3A_226 : i32
      %dma_start3A_253 = arith.constant 4096 : i32
      %dma_start3A_254 = tpu.memref_slice %arg7[%dma_start3A_253] : memref<16384xf32, #tpu.memory_space<vmem>> -> memref<4096xf32, #tpu.memory_space<vmem>>
      %dma_start3A_255 = arith.constant 0 : i32
      %dma_start3A_256 = tpu.memref_slice %arg4[%select_n3A, %add3A_252, %dma_start3A_255] : memref<16x256x4096xf32, #tpu.memory_space<hbm>> -> memref<1x1x4096xf32, #tpu.memory_space<hbm>>
      %dma_start3A_257 = tpu.memref_squeeze %dma_start3A_256 : memref<1x1x4096xf32, #tpu.memory_space<hbm>> -> memref<4096xf32, #tpu.memory_space<hbm>>
      %dma_start3A_258 = arith.constant 0 : i32
      %dma_start3A_259 = tpu.memref_slice %arg4[%select_n3A, %add3A_252, %dma_start3A_258] : memref<16x256x4096xf32, #tpu.memory_space<hbm>> -> memref<1x1x4096xf32, #tpu.memory_space<hbm>>
      %dma_start3A_260 = tpu.memref_squeeze %dma_start3A_259 : memref<1x1x4096xf32, #tpu.memory_space<hbm>> -> memref<4096xf32, #tpu.memory_space<hbm>>
      %dma_start3A_261 = arith.constant 4096 : i32
      %dma_start3A_262 = tpu.memref_slice %arg7[%dma_start3A_261] : memref<16384xf32, #tpu.memory_space<vmem>> -> memref<4096xf32, #tpu.memory_space<vmem>>
      tpu.enqueue_dma source(%dma_start3A_262 : memref<4096xf32, #tpu.memory_space<vmem>>) target(%dma_start3A_260 : memref<4096xf32, #tpu.memory_space<hbm>>) target_semaphore(%arg13 : memref<!tpu.dma_semaphore, #tpu.memory_space<semaphore_mem>>)
      %add3A_263 = arith.constant 4 : i32
      %add3A_264 = arith.addi %add3A_226, %add3A_263 : i32
      %lt3A_265 = arith.constant 128 : i32
      %lt3A_266 = arith.cmpi slt, %add3A_264, %lt3A_265 : i32
      %convert_element_type3A_267 = arith.extui %lt3A_266 : i1 to i32
      %cond3A_268 = arith.constant 0 : i32
      %cond3A_269 = arith.cmpi ne, %convert_element_type3A_267, %cond3A_268 : i32
      scf.if %cond3A_269 {
        %add3A_360 = arith.constant 4 : i32
        %add3A_361 = arith.addi %add3A_226, %add3A_360 : i32
        %add3A_362 = arith.addi %mul3A_32, %add3A_361 : i32
        %dma_start3A_363 = arith.constant 16384 : i32
        %dma_start3A_364 = tpu.memref_slice %arg6[%dma_start3A_363] : memref<65536xf32, #tpu.memory_space<vmem>> -> memref<16384xf32, #tpu.memory_space<vmem>>
        %dma_start3A_365 = arith.constant 0 : i32
        %dma_start3A_366 = tpu.memref_slice %arg2[%select_n3A, %add3A_362, %dma_start3A_365] : memref<16x256x16384xf32, #tpu.memory_space<hbm>> -> memref<1x1x16384xf32, #tpu.memory_space<hbm>>
        %dma_start3A_367 = tpu.memref_squeeze %dma_start3A_366 : memref<1x1x16384xf32, #tpu.memory_space<hbm>> -> memref<16384xf32, #tpu.memory_space<hbm>>
        %dma_start3A_368 = arith.constant 16384 : i32
        %dma_start3A_369 = tpu.memref_slice %arg6[%dma_start3A_368] : memref<65536xf32, #tpu.memory_space<vmem>> -> memref<16384xf32, #tpu.memory_space<vmem>>
        %dma_start3A_370 = arith.constant 0 : i32
        %dma_start3A_371 = tpu.memref_slice %arg2[%select_n3A, %add3A_362, %dma_start3A_370] : memref<16x256x16384xf32, #tpu.memory_space<hbm>> -> memref<1x1x16384xf32, #tpu.memory_space<hbm>>
        %dma_start3A_372 = tpu.memref_squeeze %dma_start3A_371 : memref<1x1x16384xf32, #tpu.memory_space<hbm>> -> memref<16384xf32, #tpu.memory_space<hbm>>
        tpu.enqueue_dma source(%dma_start3A_372 : memref<16384xf32, #tpu.memory_space<hbm>>) target(%dma_start3A_369 : memref<16384xf32, #tpu.memory_space<vmem>>) target_semaphore(%arg9 : memref<!tpu.dma_semaphore, #tpu.memory_space<semaphore_mem>>)
      } else {
      }
      %add3A_270 = arith.constant 2 : i32
      %add3A_271 = arith.addi %mul3A_182, %add3A_270 : i32
      %add3A_272 = arith.addi %mul3A_32, %add3A_271 : i32
      %dma_wait3A_273 = arith.constant 32768 : i32
      %dma_wait3A_274 = tpu.memref_slice %arg6[%dma_wait3A_273] : memref<65536xf32, #tpu.memory_space<vmem>> -> memref<16384xf32, #tpu.memory_space<vmem>>
      %dma_wait3A_275 = arith.constant 0 : i32
      %dma_wait3A_276 = tpu.memref_slice %arg2[%select_n3A, %add3A_272, %dma_wait3A_275] : memref<16x256x16384xf32, #tpu.memory_space<hbm>> -> memref<1x1x16384xf32, #tpu.memory_space<hbm>>
      %dma_wait3A_277 = tpu.memref_squeeze %dma_wait3A_276 : memref<1x1x16384xf32, #tpu.memory_space<hbm>> -> memref<16384xf32, #tpu.memory_space<hbm>>
      %dma_wait3A_278 = arith.constant 32768 : i32
      %dma_wait3A_279 = tpu.memref_slice %arg6[%dma_wait3A_278] : memref<65536xf32, #tpu.memory_space<vmem>> -> memref<16384xf32, #tpu.memory_space<vmem>>
      %dma_wait3A_280 = arith.constant 0 : i32
      %dma_wait3A_281 = tpu.memref_slice %arg2[%select_n3A, %add3A_272, %dma_wait3A_280] : memref<16x256x16384xf32, #tpu.memory_space<hbm>> -> memref<1x1x16384xf32, #tpu.memory_space<hbm>>
      %dma_wait3A_282 = tpu.memref_squeeze %dma_wait3A_281 : memref<1x1x16384xf32, #tpu.memory_space<hbm>> -> memref<16384xf32, #tpu.memory_space<hbm>>
      tpu.wait_dma2 semaphore(%arg10 : memref<!tpu.dma_semaphore, #tpu.memory_space<semaphore_mem>>) src(%dma_wait3A_282 : memref<16384xf32, #tpu.memory_space<hbm>>) dst(%dma_wait3A_279 : memref<16384xf32, #tpu.memory_space<vmem>>)
      %add3A_283 = arith.addi %mul3A_32, %add3A_271 : i32
      %dma_wait3A_284 = arith.constant 8192 : i32
      %dma_wait3A_285 = tpu.memref_slice %arg7[%dma_wait3A_284] : memref<16384xf32, #tpu.memory_space<vmem>> -> memref<4096xf32, #tpu.memory_space<vmem>>
      %dma_wait3A_286 = arith.constant 0 : i32
      %dma_wait3A_287 = tpu.memref_slice %arg4[%select_n3A, %add3A_283, %dma_wait3A_286] : memref<16x256x4096xf32, #tpu.memory_space<hbm>> -> memref<1x1x4096xf32, #tpu.memory_space<hbm>>
      %dma_wait3A_288 = tpu.memref_squeeze %dma_wait3A_287 : memref<1x1x4096xf32, #tpu.memory_space<hbm>> -> memref<4096xf32, #tpu.memory_space<hbm>>
      %dma_wait3A_289 = arith.constant 0 : i32
      %dma_wait3A_290 = tpu.memref_slice %arg4[%select_n3A, %add3A_283, %dma_wait3A_289] : memref<16x256x4096xf32, #tpu.memory_space<hbm>> -> memref<1x1x4096xf32, #tpu.memory_space<hbm>>
      %dma_wait3A_291 = tpu.memref_squeeze %dma_wait3A_290 : memref<1x1x4096xf32, #tpu.memory_space<hbm>> -> memref<4096xf32, #tpu.memory_space<hbm>>
      %dma_wait3A_292 = arith.constant 8192 : i32
      %dma_wait3A_293 = tpu.memref_slice %arg7[%dma_wait3A_292] : memref<16384xf32, #tpu.memory_space<vmem>> -> memref<4096xf32, #tpu.memory_space<vmem>>
      tpu.wait_dma2 semaphore(%arg14 : memref<!tpu.dma_semaphore, #tpu.memory_space<semaphore_mem>>) src(%dma_wait3A_293 : memref<4096xf32, #tpu.memory_space<vmem>>) dst(%dma_wait3A_291 : memref<4096xf32, #tpu.memory_space<hbm>>)
      %parallel_loop3A_294 = arith.constant 0 : i32
      %parallel_loop3A_295 = arith.constant 256 : i32
      %parallel_loop3A_296 = arith.constant 1 : i32
      scf.for %parallel_loop3A_360 = %parallel_loop3A_294 to %parallel_loop3A_295 step %parallel_loop3A_296  : i32 {
        %parallel_loop3A_361 = arith.constant 16 : i32
        %parallel_loop3A_362 = arith.muli %parallel_loop3A_360, %parallel_loop3A_361 : i32
        %parallel_loop3A_363 = arith.index_cast %parallel_loop3A_362 : i32 to index
        %parallel_loop3A_364 = tpu.vector_load %arg5[%parallel_loop3A_363] {strides = array<i32>} : memref<4096xi32, #tpu.memory_space<vmem>>, vector<16xi32>,
        %parallel_loop3A_365 = arith.constant 32768 : i32
        %parallel_loop3A_366 = vector.broadcast %parallel_loop3A_365 : i32 to vector<16xi32>
        %parallel_loop3A_367 = arith.addi %parallel_loop3A_364, %parallel_loop3A_366 : vector<16xi32>
        %parallel_loop3A_368 = tpu.vector_load_idx %arg6[%parallel_loop3A_367] : memref<65536xf32, #tpu.memory_space<vmem>>[vector<16xi32>], vector<16xf32>,
        %parallel_loop3A_369 = arith.constant 16 : i32
        %parallel_loop3A_370 = arith.muli %parallel_loop3A_360, %parallel_loop3A_369 : i32
        %parallel_loop3A_371 = arith.constant 8192 : i32
        %parallel_loop3A_372 = arith.addi %parallel_loop3A_371, %parallel_loop3A_370 : i32
        %parallel_loop3A_373 = arith.index_cast %parallel_loop3A_372 : i32 to index
        %parallel_loop3A_374 = tpu.vector_load %arg7[%parallel_loop3A_373] {strides = array<i32>} : memref<16384xf32, #tpu.memory_space<vmem>>, vector<16xf32>,
        tpu.vector_store %arg7[%parallel_loop3A_373], %parallel_loop3A_368 {strides = array<i32>} : memref<16384xf32, #tpu.memory_space<vmem>>, vector<16xf32>,
      } {sc.loop_unroll_factor = 8 : i64, sc.parallel_access}
      %add3A_297 = arith.addi %mul3A_32, %add3A_271 : i32
      %dma_start3A_298 = arith.constant 8192 : i32
      %dma_start3A_299 = tpu.memref_slice %arg7[%dma_start3A_298] : memref<16384xf32, #tpu.memory_space<vmem>> -> memref<4096xf32, #tpu.memory_space<vmem>>
      %dma_start3A_300 = arith.constant 0 : i32
      %dma_start3A_301 = tpu.memref_slice %arg4[%select_n3A, %add3A_297, %dma_start3A_300] : memref<16x256x4096xf32, #tpu.memory_space<hbm>> -> memref<1x1x4096xf32, #tpu.memory_space<hbm>>
      %dma_start3A_302 = tpu.memref_squeeze %dma_start3A_301 : memref<1x1x4096xf32, #tpu.memory_space<hbm>> -> memref<4096xf32, #tpu.memory_space<hbm>>
      %dma_start3A_303 = arith.constant 0 : i32
      %dma_start3A_304 = tpu.memref_slice %arg4[%select_n3A, %add3A_297, %dma_start3A_303] : memref<16x256x4096xf32, #tpu.memory_space<hbm>> -> memref<1x1x4096xf32, #tpu.memory_space<hbm>>
      %dma_start3A_305 = tpu.memref_squeeze %dma_start3A_304 : memref<1x1x4096xf32, #tpu.memory_space<hbm>> -> memref<4096xf32, #tpu.memory_space<hbm>>
      %dma_start3A_306 = arith.constant 8192 : i32
      %dma_start3A_307 = tpu.memref_slice %arg7[%dma_start3A_306] : memref<16384xf32, #tpu.memory_space<vmem>> -> memref<4096xf32, #tpu.memory_space<vmem>>
      tpu.enqueue_dma source(%dma_start3A_307 : memref<4096xf32, #tpu.memory_space<vmem>>) target(%dma_start3A_305 : memref<4096xf32, #tpu.memory_space<hbm>>) target_semaphore(%arg14 : memref<!tpu.dma_semaphore, #tpu.memory_space<semaphore_mem>>)
      %add3A_308 = arith.constant 4 : i32
      %add3A_309 = arith.addi %add3A_271, %add3A_308 : i32
      %lt3A_310 = arith.constant 128 : i32
      %lt3A_311 = arith.cmpi slt, %add3A_309, %lt3A_310 : i32
      %convert_element_type3A_312 = arith.extui %lt3A_311 : i1 to i32
      %cond3A_313 = arith.constant 0 : i32
      %cond3A_314 = arith.cmpi ne, %convert_element_type3A_312, %cond3A_313 : i32
      scf.if %cond3A_314 {
        %add3A_360 = arith.constant 4 : i32
        %add3A_361 = arith.addi %add3A_271, %add3A_360 : i32
        %add3A_362 = arith.addi %mul3A_32, %add3A_361 : i32
        %dma_start3A_363 = arith.constant 32768 : i32
        %dma_start3A_364 = tpu.memref_slice %arg6[%dma_start3A_363] : memref<65536xf32, #tpu.memory_space<vmem>> -> memref<16384xf32, #tpu.memory_space<vmem>>
        %dma_start3A_365 = arith.constant 0 : i32
        %dma_start3A_366 = tpu.memref_slice %arg2[%select_n3A, %add3A_362, %dma_start3A_365] : memref<16x256x16384xf32, #tpu.memory_space<hbm>> -> memref<1x1x16384xf32, #tpu.memory_space<hbm>>
        %dma_start3A_367 = tpu.memref_squeeze %dma_start3A_366 : memref<1x1x16384xf32, #tpu.memory_space<hbm>> -> memref<16384xf32, #tpu.memory_space<hbm>>
        %dma_start3A_368 = arith.constant 32768 : i32
        %dma_start3A_369 = tpu.memref_slice %arg6[%dma_start3A_368] : memref<65536xf32, #tpu.memory_space<vmem>> -> memref<16384xf32, #tpu.memory_space<vmem>>
        %dma_start3A_370 = arith.constant 0 : i32
        %dma_start3A_371 = tpu.memref_slice %arg2[%select_n3A, %add3A_362, %dma_start3A_370] : memref<16x256x16384xf32, #tpu.memory_space<hbm>> -> memref<1x1x16384xf32, #tpu.memory_space<hbm>>
        %dma_start3A_372 = tpu.memref_squeeze %dma_start3A_371 : memref<1x1x16384xf32, #tpu.memory_space<hbm>> -> memref<16384xf32, #tpu.memory_space<hbm>>
        tpu.enqueue_dma source(%dma_start3A_372 : memref<16384xf32, #tpu.memory_space<hbm>>) target(%dma_start3A_369 : memref<16384xf32, #tpu.memory_space<vmem>>) target_semaphore(%arg10 : memref<!tpu.dma_semaphore, #tpu.memory_space<semaphore_mem>>)
      } else {
      }
      %add3A_315 = arith.constant 3 : i32
      %add3A_316 = arith.addi %mul3A_182, %add3A_315 : i32
      %add3A_317 = arith.addi %mul3A_32, %add3A_316 : i32
      %dma_wait3A_318 = arith.constant 49152 : i32
      %dma_wait3A_319 = tpu.memref_slice %arg6[%dma_wait3A_318] : memref<65536xf32, #tpu.memory_space<vmem>> -> memref<16384xf32, #tpu.memory_space<vmem>>
      %dma_wait3A_320 = arith.constant 0 : i32
      %dma_wait3A_321 = tpu.memref_slice %arg2[%select_n3A, %add3A_317, %dma_wait3A_320] : memref<16x256x16384xf32, #tpu.memory_space<hbm>> -> memref<1x1x16384xf32, #tpu.memory_space<hbm>>
      %dma_wait3A_322 = tpu.memref_squeeze %dma_wait3A_321 : memref<1x1x16384xf32, #tpu.memory_space<hbm>> -> memref<16384xf32, #tpu.memory_space<hbm>>
      %dma_wait3A_323 = arith.constant 49152 : i32
      %dma_wait3A_324 = tpu.memref_slice %arg6[%dma_wait3A_323] : memref<65536xf32, #tpu.memory_space<vmem>> -> memref<16384xf32, #tpu.memory_space<vmem>>
      %dma_wait3A_325 = arith.constant 0 : i32
      %dma_wait3A_326 = tpu.memref_slice %arg2[%select_n3A, %add3A_317, %dma_wait3A_325] : memref<16x256x16384xf32, #tpu.memory_space<hbm>> -> memref<1x1x16384xf32, #tpu.memory_space<hbm>>
      %dma_wait3A_327 = tpu.memref_squeeze %dma_wait3A_326 : memref<1x1x16384xf32, #tpu.memory_space<hbm>> -> memref<16384xf32, #tpu.memory_space<hbm>>
      tpu.wait_dma2 semaphore(%arg11 : memref<!tpu.dma_semaphore, #tpu.memory_space<semaphore_mem>>) src(%dma_wait3A_327 : memref<16384xf32, #tpu.memory_space<hbm>>) dst(%dma_wait3A_324 : memref<16384xf32, #tpu.memory_space<vmem>>)
      %add3A_328 = arith.addi %mul3A_32, %add3A_316 : i32
      %dma_wait3A_329 = arith.constant 12288 : i32
      %dma_wait3A_330 = tpu.memref_slice %arg7[%dma_wait3A_329] : memref<16384xf32, #tpu.memory_space<vmem>> -> memref<4096xf32, #tpu.memory_space<vmem>>
      %dma_wait3A_331 = arith.constant 0 : i32
      %dma_wait3A_332 = tpu.memref_slice %arg4[%select_n3A, %add3A_328, %dma_wait3A_331] : memref<16x256x4096xf32, #tpu.memory_space<hbm>> -> memref<1x1x4096xf32, #tpu.memory_space<hbm>>
      %dma_wait3A_333 = tpu.memref_squeeze %dma_wait3A_332 : memref<1x1x4096xf32, #tpu.memory_space<hbm>> -> memref<4096xf32, #tpu.memory_space<hbm>>
      %dma_wait3A_334 = arith.constant 0 : i32
      %dma_wait3A_335 = tpu.memref_slice %arg4[%select_n3A, %add3A_328, %dma_wait3A_334] : memref<16x256x4096xf32, #tpu.memory_space<hbm>> -> memref<1x1x4096xf32, #tpu.memory_space<hbm>>
      %dma_wait3A_336 = tpu.memref_squeeze %dma_wait3A_335 : memref<1x1x4096xf32, #tpu.memory_space<hbm>> -> memref<4096xf32, #tpu.memory_space<hbm>>
      %dma_wait3A_337 = arith.constant 12288 : i32
      %dma_wait3A_338 = tpu.memref_slice %arg7[%dma_wait3A_337] : memref<16384xf32, #tpu.memory_space<vmem>> -> memref<4096xf32, #tpu.memory_space<vmem>>
      tpu.wait_dma2 semaphore(%arg15 : memref<!tpu.dma_semaphore, #tpu.memory_space<semaphore_mem>>) src(%dma_wait3A_338 : memref<4096xf32, #tpu.memory_space<vmem>>) dst(%dma_wait3A_336 : memref<4096xf32, #tpu.memory_space<hbm>>)
      %parallel_loop3A_339 = arith.constant 0 : i32
      %parallel_loop3A_340 = arith.constant 256 : i32
      %parallel_loop3A_341 = arith.constant 1 : i32
      scf.for %parallel_loop3A_360 = %parallel_loop3A_339 to %parallel_loop3A_340 step %parallel_loop3A_341  : i32 {
        %parallel_loop3A_361 = arith.constant 16 : i32
        %parallel_loop3A_362 = arith.muli %parallel_loop3A_360, %parallel_loop3A_361 : i32
        %parallel_loop3A_363 = arith.index_cast %parallel_loop3A_362 : i32 to index
        %parallel_loop3A_364 = tpu.vector_load %arg5[%parallel_loop3A_363] {strides = array<i32>} : memref<4096xi32, #tpu.memory_space<vmem>>, vector<16xi32>,
        %parallel_loop3A_365 = arith.constant 49152 : i32
        %parallel_loop3A_366 = vector.broadcast %parallel_loop3A_365 : i32 to vector<16xi32>
        %parallel_loop3A_367 = arith.addi %parallel_loop3A_364, %parallel_loop3A_366 : vector<16xi32>
        %parallel_loop3A_368 = tpu.vector_load_idx %arg6[%parallel_loop3A_367] : memref<65536xf32, #tpu.memory_space<vmem>>[vector<16xi32>], vector<16xf32>,
        %parallel_loop3A_369 = arith.constant 16 : i32
        %parallel_loop3A_370 = arith.muli %parallel_loop3A_360, %parallel_loop3A_369 : i32
        %parallel_loop3A_371 = arith.constant 12288 : i32
        %parallel_loop3A_372 = arith.addi %parallel_loop3A_371, %parallel_loop3A_370 : i32
        %parallel_loop3A_373 = arith.index_cast %parallel_loop3A_372 : i32 to index
        %parallel_loop3A_374 = tpu.vector_load %arg7[%parallel_loop3A_373] {strides = array<i32>} : memref<16384xf32, #tpu.memory_space<vmem>>, vector<16xf32>,
        tpu.vector_store %arg7[%parallel_loop3A_373], %parallel_loop3A_368 {strides = array<i32>} : memref<16384xf32, #tpu.memory_space<vmem>>, vector<16xf32>,
      } {sc.loop_unroll_factor = 8 : i64, sc.parallel_access}
      %add3A_342 = arith.addi %mul3A_32, %add3A_316 : i32
      %dma_start3A_343 = arith.constant 12288 : i32
      %dma_start3A_344 = tpu.memref_slice %arg7[%dma_start3A_343] : memref<16384xf32, #tpu.memory_space<vmem>> -> memref<4096xf32, #tpu.memory_space<vmem>>
      %dma_start3A_345 = arith.constant 0 : i32
      %dma_start3A_346 = tpu.memref_slice %arg4[%select_n3A, %add3A_342, %dma_start3A_345] : memref<16x256x4096xf32, #tpu.memory_space<hbm>> -> memref<1x1x4096xf32, #tpu.memory_space<hbm>>
      %dma_start3A_347 = tpu.memref_squeeze %dma_start3A_346 : memref<1x1x4096xf32, #tpu.memory_space<hbm>> -> memref<4096xf32, #tpu.memory_space<hbm>>
      %dma_start3A_348 = arith.constant 0 : i32
      %dma_start3A_349 = tpu.memref_slice %arg4[%select_n3A, %add3A_342, %dma_start3A_348] : memref<16x256x4096xf32, #tpu.memory_space<hbm>> -> memref<1x1x4096xf32, #tpu.memory_space<hbm>>
      %dma_start3A_350 = tpu.memref_squeeze %dma_start3A_349 : memref<1x1x4096xf32, #tpu.memory_space<hbm>> -> memref<4096xf32, #tpu.memory_space<hbm>>
      %dma_start3A_351 = arith.constant 12288 : i32
      %dma_start3A_352 = tpu.memref_slice %arg7[%dma_start3A_351] : memref<16384xf32, #tpu.memory_space<vmem>> -> memref<4096xf32, #tpu.memory_space<vmem>>
      tpu.enqueue_dma source(%dma_start3A_352 : memref<4096xf32, #tpu.memory_space<vmem>>) target(%dma_start3A_350 : memref<4096xf32, #tpu.memory_space<hbm>>) target_semaphore(%arg15 : memref<!tpu.dma_semaphore, #tpu.memory_space<semaphore_mem>>)
      %add3A_353 = arith.constant 4 : i32
      %add3A_354 = arith.addi %add3A_316, %add3A_353 : i32
      %lt3A_355 = arith.constant 128 : i32
      %lt3A_356 = arith.cmpi slt, %add3A_354, %lt3A_355 : i32
      %convert_element_type3A_357 = arith.extui %lt3A_356 : i1 to i32
      %cond3A_358 = arith.constant 0 : i32
      %cond3A_359 = arith.cmpi ne, %convert_element_type3A_357, %cond3A_358 : i32
      scf.if %cond3A_359 {
        %add3A_360 = arith.constant 4 : i32
        %add3A_361 = arith.addi %add3A_316, %add3A_360 : i32
        %add3A_362 = arith.addi %mul3A_32, %add3A_361 : i32
        %dma_start3A_363 = arith.constant 49152 : i32
        %dma_start3A_364 = tpu.memref_slice %arg6[%dma_start3A_363] : memref<65536xf32, #tpu.memory_space<vmem>> -> memref<16384xf32, #tpu.memory_space<vmem>>
        %dma_start3A_365 = arith.constant 0 : i32
        %dma_start3A_366 = tpu.memref_slice %arg2[%select_n3A, %add3A_362, %dma_start3A_365] : memref<16x256x16384xf32, #tpu.memory_space<hbm>> -> memref<1x1x16384xf32, #tpu.memory_space<hbm>>
        %dma_start3A_367 = tpu.memref_squeeze %dma_start3A_366 : memref<1x1x16384xf32, #tpu.memory_space<hbm>> -> memref<16384xf32, #tpu.memory_space<hbm>>
        %dma_start3A_368 = arith.constant 49152 : i32
        %dma_start3A_369 = tpu.memref_slice %arg6[%dma_start3A_368] : memref<65536xf32, #tpu.memory_space<vmem>> -> memref<16384xf32, #tpu.memory_space<vmem>>
        %dma_start3A_370 = arith.constant 0 : i32
        %dma_start3A_371 = tpu.memref_slice %arg2[%select_n3A, %add3A_362, %dma_start3A_370] : memref<16x256x16384xf32, #tpu.memory_space<hbm>> -> memref<1x1x16384xf32, #tpu.memory_space<hbm>>
        %dma_start3A_372 = tpu.memref_squeeze %dma_start3A_371 : memref<1x1x16384xf32, #tpu.memory_space<hbm>> -> memref<16384xf32, #tpu.memory_space<hbm>>
        tpu.enqueue_dma source(%dma_start3A_372 : memref<16384xf32, #tpu.memory_space<hbm>>) target(%dma_start3A_369 : memref<16384xf32, #tpu.memory_space<vmem>>) target_semaphore(%arg11 : memref<!tpu.dma_semaphore, #tpu.memory_space<semaphore_mem>>)
      } else {
      }
    }
    %scan3A_132 = arith.constant 32 : i32
    %add3A_133 = arith.constant 0 : i32
    %add3A_134 = arith.addi %mul3A_32, %add3A_133 : i32
    %dma_wait3A = arith.constant 0 : i32
    %dma_wait3A_135 = tpu.memref_slice %arg7[%dma_wait3A] : memref<16384xf32, #tpu.memory_space<vmem>> -> memref<4096xf32, #tpu.memory_space<vmem>>
    %dma_wait3A_136 = arith.constant 0 : i32
    %dma_wait3A_137 = tpu.memref_slice %arg4[%select_n3A, %add3A_134, %dma_wait3A_136] : memref<16x256x4096xf32, #tpu.memory_space<hbm>> -> memref<1x1x4096xf32, #tpu.memory_space<hbm>>
    %dma_wait3A_138 = tpu.memref_squeeze %dma_wait3A_137 : memref<1x1x4096xf32, #tpu.memory_space<hbm>> -> memref<4096xf32, #tpu.memory_space<hbm>>
    %dma_wait3A_139 = arith.constant 0 : i32
    %dma_wait3A_140 = tpu.memref_slice %arg4[%select_n3A, %add3A_134, %dma_wait3A_139] : memref<16x256x4096xf32, #tpu.memory_space<hbm>> -> memref<1x1x4096xf32, #tpu.memory_space<hbm>>
    %dma_wait3A_141 = tpu.memref_squeeze %dma_wait3A_140 : memref<1x1x4096xf32, #tpu.memory_space<hbm>> -> memref<4096xf32, #tpu.memory_space<hbm>>
    %dma_wait3A_142 = arith.constant 0 : i32
    %dma_wait3A_143 = tpu.memref_slice %arg7[%dma_wait3A_142] : memref<16384xf32, #tpu.memory_space<vmem>> -> memref<4096xf32, #tpu.memory_space<vmem>>
    tpu.wait_dma2 semaphore(%arg12 : memref<!tpu.dma_semaphore, #tpu.memory_space<semaphore_mem>>) src(%dma_wait3A_143 : memref<4096xf32, #tpu.memory_space<vmem>>) dst(%dma_wait3A_141 : memref<4096xf32, #tpu.memory_space<hbm>>)
    %add3A_144 = arith.constant 0 : i32
    %add3A_145 = arith.addi %mul3A_32, %add3A_144 : i32
    %dma_wait3A_146 = arith.constant 4096 : i32
    %dma_wait3A_147 = tpu.memref_slice %arg7[%dma_wait3A_146] : memref<16384xf32, #tpu.memory_space<vmem>> -> memref<4096xf32, #tpu.memory_space<vmem>>
    %dma_wait3A_148 = arith.constant 0 : i32
    %dma_wait3A_149 = tpu.memref_slice %arg4[%select_n3A, %add3A_145, %dma_wait3A_148] : memref<16x256x4096xf32, #tpu.memory_space<hbm>> -> memref<1x1x4096xf32, #tpu.memory_space<hbm>>
    %dma_wait3A_150 = tpu.memref_squeeze %dma_wait3A_149 : memref<1x1x4096xf32, #tpu.memory_space<hbm>> -> memref<4096xf32, #tpu.memory_space<hbm>>
    %dma_wait3A_151 = arith.constant 0 : i32
    %dma_wait3A_152 = tpu.memref_slice %arg4[%select_n3A, %add3A_145, %dma_wait3A_151] : memref<16x256x4096xf32, #tpu.memory_space<hbm>> -> memref<1x1x4096xf32, #tpu.memory_space<hbm>>
    %dma_wait3A_153 = tpu.memref_squeeze %dma_wait3A_152 : memref<1x1x4096xf32, #tpu.memory_space<hbm>> -> memref<4096xf32, #tpu.memory_space<hbm>>
    %dma_wait3A_154 = arith.constant 4096 : i32
    %dma_wait3A_155 = tpu.memref_slice %arg7[%dma_wait3A_154] : memref<16384xf32, #tpu.memory_space<vmem>> -> memref<4096xf32, #tpu.memory_space<vmem>>
    tpu.wait_dma2 semaphore(%arg13 : memref<!tpu.dma_semaphore, #tpu.memory_space<semaphore_mem>>) src(%dma_wait3A_155 : memref<4096xf32, #tpu.memory_space<vmem>>) dst(%dma_wait3A_153 : memref<4096xf32, #tpu.memory_space<hbm>>)
    %add3A_156 = arith.constant 0 : i32
    %add3A_157 = arith.addi %mul3A_32, %add3A_156 : i32
    %dma_wait3A_158 = arith.constant 8192 : i32
    %dma_wait3A_159 = tpu.memref_slice %arg7[%dma_wait3A_158] : memref<16384xf32, #tpu.memory_space<vmem>> -> memref<4096xf32, #tpu.memory_space<vmem>>
    %dma_wait3A_160 = arith.constant 0 : i32
    %dma_wait3A_161 = tpu.memref_slice %arg4[%select_n3A, %add3A_157, %dma_wait3A_160] : memref<16x256x4096xf32, #tpu.memory_space<hbm>> -> memref<1x1x4096xf32, #tpu.memory_space<hbm>>
    %dma_wait3A_162 = tpu.memref_squeeze %dma_wait3A_161 : memref<1x1x4096xf32, #tpu.memory_space<hbm>> -> memref<4096xf32, #tpu.memory_space<hbm>>
    %dma_wait3A_163 = arith.constant 0 : i32
    %dma_wait3A_164 = tpu.memref_slice %arg4[%select_n3A, %add3A_157, %dma_wait3A_163] : memref<16x256x4096xf32, #tpu.memory_space<hbm>> -> memref<1x1x4096xf32, #tpu.memory_space<hbm>>
    %dma_wait3A_165 = tpu.memref_squeeze %dma_wait3A_164 : memref<1x1x4096xf32, #tpu.memory_space<hbm>> -> memref<4096xf32, #tpu.memory_space<hbm>>
    %dma_wait3A_166 = arith.constant 8192 : i32
    %dma_wait3A_167 = tpu.memref_slice %arg7[%dma_wait3A_166] : memref<16384xf32, #tpu.memory_space<vmem>> -> memref<4096xf32, #tpu.memory_space<vmem>>
    tpu.wait_dma2 semaphore(%arg14 : memref<!tpu.dma_semaphore, #tpu.memory_space<semaphore_mem>>) src(%dma_wait3A_167 : memref<4096xf32, #tpu.memory_space<vmem>>) dst(%dma_wait3A_165 : memref<4096xf32, #tpu.memory_space<hbm>>)
    %add3A_168 = arith.constant 0 : i32
    %add3A_169 = arith.addi %mul3A_32, %add3A_168 : i32
    %dma_wait3A_170 = arith.constant 12288 : i32
    %dma_wait3A_171 = tpu.memref_slice %arg7[%dma_wait3A_170] : memref<16384xf32, #tpu.memory_space<vmem>> -> memref<4096xf32, #tpu.memory_space<vmem>>
    %dma_wait3A_172 = arith.constant 0 : i32
    %dma_wait3A_173 = tpu.memref_slice %arg4[%select_n3A, %add3A_169, %dma_wait3A_172] : memref<16x256x4096xf32, #tpu.memory_space<hbm>> -> memref<1x1x4096xf32, #tpu.memory_space<hbm>>
    %dma_wait3A_174 = tpu.memref_squeeze %dma_wait3A_173 : memref<1x1x4096xf32, #tpu.memory_space<hbm>> -> memref<4096xf32, #tpu.memory_space<hbm>>
    %dma_wait3A_175 = arith.constant 0 : i32
    %dma_wait3A_176 = tpu.memref_slice %arg4[%select_n3A, %add3A_169, %dma_wait3A_175] : memref<16x256x4096xf32, #tpu.memory_space<hbm>> -> memref<1x1x4096xf32, #tpu.memory_space<hbm>>
    %dma_wait3A_177 = tpu.memref_squeeze %dma_wait3A_176 : memref<1x1x4096xf32, #tpu.memory_space<hbm>> -> memref<4096xf32, #tpu.memory_space<hbm>>
    %dma_wait3A_178 = arith.constant 12288 : i32
    %dma_wait3A_179 = tpu.memref_slice %arg7[%dma_wait3A_178] : memref<16384xf32, #tpu.memory_space<vmem>> -> memref<4096xf32, #tpu.memory_space<vmem>>
    tpu.wait_dma2 semaphore(%arg15 : memref<!tpu.dma_semaphore, #tpu.memory_space<semaphore_mem>>) src(%dma_wait3A_179 : memref<4096xf32, #tpu.memory_space<vmem>>) dst(%dma_wait3A_177 : memref<4096xf32, #tpu.memory_space<hbm>>)
    return
  }
}

</mosaic_0001>

<sc_bundles>
// kernel: kernel.3.cloned.1.call-start
scs
__scs_entry_jumppad:
0x0: {  	(pc) =	sbr.rel $0x88, $3  }
0x1: {  	(tag) =	ssettag $0x0;
	lr =	simm.s32 $0x1  }
0x2: {  	[smem:$0x3F9F] =	sst lr;
	_ =	strace $0xD0000000  }
0x3: {  	_ = 	snop  }
0x4: {  	_ = 	snop  }
0x5: {  	_ = 	snop  }
0x6: {  	_ = 	snop  }
0x7: {  	_ = 	snop  }
__scs_overlays_trampoline_lowered:
0x8: {  	[smem:$0x3FAE] =	sst s0  }
0x9: {  	[smem:$0x3FAF] =	sst s1  }
0xa: {  	[smem:$0x3FB0] =	sst s2  }
0xb: {  	[smem:$0x3FB1] =	sst s3  }
0xc: {  	[smem:$0x3FB2] =	sst s4  }
0xd: {  	[smem:$0x3FB3] =	sst s5  }
0xe: {  	[smem:$0x3FB4] =	sst s6  }
0xf: {  	[smem:$0x3FB5] =	sst s7  }
0x10: {  	[smem:$0x3FB6] =	sst s8  }
0x11: {  	[smem:$0x3FB7] =	sst s9;
	s0 =	simm.s32 @!p0 $0x0  }
0x12: {  	s1 =	sld [smem:$0x3F9D];
	s0 =	simm.s32 @p0 $0x1  }
0x13: {  	[smem:$0x3FB8] =	sst s0;
	s0 =	simm.s32 @!p1 $0x0  }
0x14: {  	s2 =	sld [smem:$0x3F9C];
	s0 =	simm.s32 @p1 $0x1  }
0x15: {  	[smem:$0x3FB9] =	sst s0;
	s0 =	simm.s32 @!p2 $0x0  }
0x16: {  	s3 =	sld [smem:$0x3FDB];
	s0 =	simm.s32 @p2 $0x1  }
0x17: {  	s4 =	simm.s32 $0x1BF5;
	[smem:$0x3FBB] =	sst s0  }
0x18: {  	s0 =	sld [smem:$0x3F9E];
	_ =	swait.ge [sflag:s4], $0x0  }
0x19: {  	s7 =	sld [smem:$0x3F9F]  }
0x1a: {  	s8 =	sadd.s32 $0xFFFFE003, lr  }
0x1b: {  	s9 =	sadd.s32 $0xFFFFFEF7, lr;
	s5 =	simm.s32 $0xFFFFFFFF;
	p2 =	slt.u32 s8, $0xFFFFF086  }
0x1c: {  	p1 =	slt.u32 s9, $0xF7A;
	s5 =	simm.s32 @!p2 $0x0  }
0x1d: {  	s5 =	simm.s32 @p1 $0x1;
	p0 =	seq.s32 s7, s2  }
0x1e: {  	s7 =	smul.u32 @!p0 $0xF7A, s2;
	p2 =	seq.s32 @!p0 s5, $0x0  }
0x1f: {  	s9 =	smul.u32 $0xF7A, s1;
	s8 =	simm.s32 @!p0 $0x1BF5;
	p2 =	por !p2, p0  }
0x20: {  	[sflag:s8] =	ssyncset.s32 @!p0 $0xFFFFF086;
	s6 =	sadd.s32 @!p0 s3, s7;
	s7 =	simm.s32 @!p0 $0x108  }
0x21: {  	s3 =	sadd.s32 s3, s9;
	s6 =	sadd.s32 @!p0 $0x88, s6;
	s7 =	simm.s32 @p2 $0x1082  }
0x22: {  	[simem:s7], [sflag:s8] =	dma.local @!p0 [hbm:s6], $0xF7A  }
0x23: {  	s9 =	sor.u32 $0xD0000000, s2;
	s6 =	simm.s32 $0x108;
	_ =	swait.ge @!p0 [sflag:s8], $0x0  }
0x24: {  	s3 =	sadd.s32 $0x88, s3;
	s6 =	simm.s32 @!p1 $0x1082;
	[sflag:s4] =	ssyncset.s32 $0xFFFFF086  }
0x25: {  	[simem:s6], [sflag:s4] =	dma.local [hbm:s3], $0xF7A  }
0x26: {  	[smem:$0x3F9F] =	sst s1;
	(tag) =	ssettag s2;
	_ =	strace s9  }
0x27: {  	s1 =	sld [smem:$0x3FAF]  }
0x28: {  	s2 =	sld [smem:$0x3FB0]  }
0x29: {  	s4 =	sld [smem:$0x3FB2]  }
0x2a: {  	p0 =	seq.s32 s5, $0x0;
	s5 =	sld [smem:$0x3FB3]  }
0x2b: {  	s6 =	sld [smem:$0x3FB4]  }
0x2c: {  	s7 =	sld [smem:$0x3FB5]  }
0x2d: {  	s3 =	simm.s32 $0x108;
	s8 =	sld [smem:$0x3FB6]  }
0x2e: {  	s3 =	simm.s32 @!p0 $0x1082;
	s9 =	sld [smem:$0x3FB7]  }
0x2f: {  	lr =	sadd.s32 s0, s3;
	s0 =	sld [smem:$0x3FAE]  }
0x30: {  	s3 =	sld [smem:$0x3FB1]  }
0x31: {  	[smem:$0x3FBA] =	sst s10  }
0x32: {  	s10 =	sld [smem:$0x3FB8];
	_ =	sdelay $0x3  }
0x33: {  	p0 =	seq.s32 s10, $0x1;
	s10 =	sld [smem:$0x3FBA];
	_ =	sdelay $0x3  }
0x34: {  	[smem:$0x3FBA] =	sst s10  }
0x35: {  	s10 =	sld [smem:$0x3FB9];
	_ =	sdelay $0x3  }
0x36: {  	p1 =	seq.s32 s10, $0x1;
	s10 =	sld [smem:$0x3FBA];
	_ =	sdelay $0x3  }
0x37: {  	[smem:$0x3FBA] =	sst s10  }
0x38: {  	s10 =	sld [smem:$0x3FBB]  }
0x39: {  	_ = 	snop;
	(pc) =	sbr.ind lr, $3  }
0x3a: {  	_ = 	snop  }
0x3b: {  	_ = 	snop  }
0x3c: {  	p2 =	seq.s32 s10, $0x1;
	s10 =	sld [smem:$0x3FBA]  }
0x3d: {  	_ =	shalt  }
0x3e: {  	_ =	shalt  }
0x3f: {  	_ =	shalt  }
0x40: {  	_ =	shalt  }
0x41: {  	_ =	shalt  }
0x42: {  	_ =	shalt  }
0x43: {  	_ =	shalt  }
0x44: {  	_ =	shalt  }
0x45: {  	_ =	shalt  }
0x46: {  	_ =	shalt  }
0x47: {  	_ =	shalt  }
0x48: {  	_ =	shalt  }
0x49: {  	_ =	shalt  }
0x4a: {  	_ =	shalt  }
0x4b: {  	_ =	shalt  }
0x4c: {  	_ =	shalt  }
0x4d: {  	_ =	shalt  }
0x4e: {  	_ =	shalt  }
0x4f: {  	_ =	shalt  }
0x50: {  	_ =	shalt  }
0x51: {  	_ =	shalt  }
0x52: {  	_ =	shalt  }
0x53: {  	_ =	shalt  }
0x54: {  	_ =	shalt  }
0x55: {  	_ =	shalt  }
0x56: {  	_ =	shalt  }
0x57: {  	_ =	shalt  }
0x58: {  	_ =	shalt  }
0x59: {  	_ =	shalt  }
0x5a: {  	_ =	shalt  }
0x5b: {  	_ =	shalt  }
0x5c: {  	_ =	shalt  }
0x5d: {  	_ =	shalt  }
0x5e: {  	_ =	shalt  }
0x5f: {  	_ =	shalt  }
0x60: {  	_ =	shalt  }
0x61: {  	_ =	shalt  }
0x62: {  	_ =	shalt  }
0x63: {  	_ =	shalt  }
0x64: {  	_ =	shalt  }
0x65: {  	_ =	shalt  }
0x66: {  	_ =	shalt  }
0x67: {  	_ =	shalt  }
0x68: {  	_ =	shalt  }
0x69: {  	_ =	shalt  }
0x6a: {  	_ =	shalt  }
0x6b: {  	_ =	shalt  }
0x6c: {  	_ =	shalt  }
0x6d: {  	_ =	shalt  }
0x6e: {  	_ =	shalt  }
0x6f: {  	_ =	shalt  }
0x70: {  	_ =	shalt  }
0x71: {  	_ =	shalt  }
0x72: {  	_ =	shalt  }
0x73: {  	_ =	shalt  }
0x74: {  	_ =	shalt  }
0x75: {  	_ =	shalt  }
0x76: {  	_ =	shalt  }
0x77: {  	_ =	shalt  }
0x78: {  	_ =	shalt  }
0x79: {  	_ =	shalt  }
0x7a: {  	_ =	shalt  }
0x7b: {  	_ =	shalt  }
0x7c: {  	_ =	shalt  }
0x7d: {  	_ =	shalt  }
0x7e: {  	_ =	shalt  }
0x7f: {  	_ =	shalt  }
0x80: {  	_ =	shalt  }
0x81: {  	_ =	shalt  }
0x82: {  	_ =	shalt  }
0x83: {  	_ =	shalt  }
0x84: {  	_ =	shalt  }
0x85: {  	_ =	shalt  }
0x86: {  	_ =	shalt  }
0x87: {  	_ =	shalt  }
.Lfunc_end0:
.L_simem_size_0:
called_computation_lowered:
.L_overlay_start_0:
0x88: {  	s2 =	sld [smem:$0x3FD9]  }
0x89: {  	s3 =	sld [smem:$0x3FFE];
	_ =	sdelay $0x1  }
0x8a: {  	s1 =	srdreg.scid  }
0x8b: {  	s0 =	sand.u32 $0x1, s1  }
0x8c: {  	s18 =	sshll.u32 s0, $0xA;
	s2 =	sadd.s32 s3, s2  }
0x8d: {  	s2 =	sadd.s32 s2, s18  }
0x8e: {  	[smem:$0x3FC6] =	sst s2  }
0x8f: {  	_ = 	snop  }
0x90: {  	s2 =	sld [smem:$0x3FC9]  }
0x91: {  	s19 =	sld [smem:$0x3FC8]  }
0x92: {  	s4 =	sld [smem:$0x3FD0];
	(tm) =	ssettm $0x1  }
0x93: {  	s5 =	sld [smem:$0x3FFB];
	_ =	sdelay $0x3  }
0x94: {  	_ =	strace s5  }
0x95: {  	s5 =	sld [smem:$0x3FFC];
	_ =	sdelay $0x3  }
0x96: {  	_ =	strace s5  }
0x97: {  	s5 =	sld [smem:$0x3FFD];
	_ =	sdelay $0x3  }
0x98: {  	_ =	strace s5  }
0x99: {  	_ =	strace $0x8FFFFFFF  }
0x9a: {  	s20 =	sld [smem:$0x3FDB];
	_ =	sdelay $0x1  }
0x9b: {  	s6 =	simm.s32 $_scs_section_size  }
0x9c: {  	s7 =	simm.s32 $_size__tile_overlayer_lowered;
	s8 =	simm.s32 $_tile_overlayer_lowered  }
0x9d: {  	s23 =	simm.s32 $0x1BFF;
	s22 =	sshll.u32 s8, $0x1;
	s5 =	sadd.s32 s6, s20  }
0x9e: {  	s9 =	simm.s32 $0x0;
	s21 =	sshll.u32 s7, $0x1;
	s7 =	sadd.s32 s22, s5  }
0x9f: {  	[timem:s9], [sflag:s23] =	dma.local [hbm:s7], s21  }
0xa0: {  	_ =	swait.ge [sflag:s23], s21  }
0xa1: {  	s6 =	ssub.s32 $0x0, s21;
	[sflag:s23] =	ssyncset.done $0x0  }
0xa2: {  	[sflag:s23] =	ssyncadd.s32 s6;
	_ =	sdelay $0x1  }
0xa3: {  	s24 =	simm.s32 $0x1B8B  }
0xa4: {  	_ =	swait.ge [sflag:s24], $0x1  }
0xa5: {  	[sflag:s24] =	ssyncset.done $0x0  }
0xa6: {  	s25 =	simm.s32 $0x1B8E;
	[sflag:s24] =	ssyncadd.s32 $0xFFFFFFFF  }
0xa7: {  	s26 =	simm.s32 $execute0_lowered;
	[smem:$0x3FD2] =	sst s25  }
0xa8: {  	s6 =	sshll.u32 s26, $0x1;
	_ =	strace $0x80000046;
	[dreg:$0x1] =	wrdreg $0xFFFFFFFF  }
0xa9: {  	s28 =	simm.s32 $_size_execute0_lowered;
	s5 =	sadd.s32 s5, s6;
	[dreg:$0x0] =	wrdreg $0x0  }
0xaa: {  	s6 =	sshll.u32 s28, $0x1;
	[dreg:$0x2] =	wrdreg s5  }
0xab: {  	[dreg:$0x3] =	wrdreg s6  }
0xac: {  	[dreg:$0x4] =	wrdreg $0xC0  }
0xad: {  	_ =	task [dreg:s9], $0x5FFFF  }
0xae: {  	[dreg:$0x1] =	wrdreg $0xFFFFFFFF  }
0xaf: {  	[dreg:$0x0] =	wrdreg $0x60  }
0xb0: {  	[dreg:$0x2] =	wrdreg s2  }
0xb1: {  	[dreg:$0x3] =	wrdreg s19  }
0xb2: {  	[dreg:$0x4] =	wrdreg s4  }
0xb3: {  	[dreg:$0x5] =	wrdreg $0x9  }
0xb4: {  	_ =	task.clear_ibuf [dreg:s9], $0x6FFFF;
	_ =	strace $0x90000046  }
0xb5: {  	s29 =	simm.s32 $0x9;
	_ =	strace $0x80000048  }
0xb6: {  	_ =	swait.ge [sflag:s29], $0x1  }
0xb7: {  	[sflag:s29] =	ssyncadd.s32 $0xFFFFFFFF  }
0xb8: {  	_ =	strace $0x90000048  }
0xb9: {  	_ =	sfence  }
0xba: {  	s30 =	sld [smem:$0x0];
	_ =	sdelay $0x2  }
0xbb: {  	s31 =	sshll.u32 s1, $0xD;
	s1 =	sshrl.u32 s1, $0x2  }
0xbc: {  	s3 =	sand.u32 $0x4000, s31;
	s1 =	sadd.s32 s1, s30  }
0xbd: {  	s0 =	sor.u32 s3, s0;
	s1 =	sshll.u32 s1, $0x11  }
0xbe: {  	s0 =	sor.u32 s1, s0  }
0xbf: {  	s0 =	sadd.s32 $0x8F2B, s0  }
0xc0: {  	[sflag:s0] =	ssyncadd.remote.s32 $0x1  }
0xc1: {  	_ =	sfence.sel $0xFFFF  }
0xc2: {  	[dreg:$0x0] =	wrdreg $0xFFFFFFFF;
	(pc) =	sbr.abs _section_cstart, $3  }
0xc3: {  	[dreg:$0x1] =	wrdreg $0xFFFFFFFF  }
0xc4: {  	_ =	task.clear_ibuf [dreg:s9], $0x2FFFF;
	_ =	strace $0x9FFFFFFF  }
0xc5: {  	(tm) =	ssettm $0x7FFFFFFF  }
tec
execute0_lowered:
.L_overlay_start_1:
0x0: {  	(tag) =	ssettag $0x1  }
0x1: {  	s0 =	srdreg.scid;
	s1 =	rddreg [dreg:$0x0]  }
0x2: {  	s7 =	stileid.u32;
	s2 =	rddreg [dreg:$0x1]  }
0x3: {  	s3 =	rddreg [dreg:$0x2];
	s6 =	simm.s32 $0x0;
	s5 =	simm.s32 $0x1  }
0x4: {  	s28 =	simm.s32 $0x13000;
	s29 =	simm.s32 $0xD000;
	s0 =	sand.u32 $0x1, s0  }
0x5: {  	s30 =	simm.s32 $0x14000;
	s31 =	simm.s32 $0x5;
	s4 =	sor.u32 s0, s7  }
0x6: {  	s12 =	simm.s32 $0x0;
	p1 =	seq.s32 s0, $0x1;
	p0 =	seq.s32 s4, $0x0  }
0x7: {  	[smem:$0x7FF] =	sst s6;
	s16 =	ssub.s32 $0x2, s0;
	p0 =	por !p0, !p1  }
0x8: {  	_ =	strace $0x80000047;
	s6 =	sshll.u32 s0, $0x7;
	p0 =	por !p0, !p0  }
0x9: {  	s11 =	sshll.u32 s0, $0x15;
	s17 =	sshrl.u32 s16, $0x1;
	s5 =	simm.s32 @!p0 $0x0  }
0xa: {  	s0 =	sshll.u32 s0, $0x13;
	s4 =	ssub.s32 s16, s17;
	s8 =	ssub.s32 s7, s5  }
0xb: {  	s26 =	smax.u32 s4, $0x1;
	s7 =	sshll.u32 s8, $0xC;
	s10 =	sshll.u32 s8, $0x7  }
0xc: {  	s4 =	simm.s32 $0x3;
	s9 =	sand.u32 $0xFFFF8000, s7;
	s10 =	sand.u32 $0x380, s10  }
0xd: {  	[dreg:$0xc] =	wrdreg s26;
	s7 =	sshll.u32 s8, $0x16;
	s9 =	sor.u32 s10, s9  }
0xe: {  	s8 =	sshll.u32 s8, $0x14;
	s11 =	sor.u32 s11, s7;
	s9 =	sshrl.u32 s9, $0x3  }
0xf: {  	s0 =	sor.u32 s0, s8;
	s18 =	sshrl.u32 s11, $0x3;
	s19 =	sadd.s32 s2, s9  }
0x10: {  	s0 =	sshrl.u32 s0, $0x3;
	s11 =	sadd.s32 s1, s18;
	[dreg:$0x5] =	wrdreg s19  }
0x11: {  	s10 =	sadd.s32 s3, s0;
	s20 =	sadd.s32 $0x10, s11;
	[dreg:$0x4] =	wrdreg s11  }
0x12: {  	s26 =	simm.s32 $0x4;
	s21 =	sadd.s32 $0x10, s10;
	[dreg:$0x6] =	wrdreg s20  }
0x13: {  	s5 =	simm.s32 $0x1;
	s22 =	sadd.s32 $0x20, s11;
	[dreg:$0x7] =	wrdreg s21  }
0x14: {  	s2 =	simm.s32 $0x2;
	s23 =	sadd.s32 $0x20, s10;
	[dreg:$0x8] =	wrdreg s22  }
.Ltmp0:
0x15: {  	s24 =	sadd.s32 $0x30, s11;
	[dreg:$0x9] =	wrdreg s23;
	(pc) =	sbr.rel .LBB2_1-.Ltmp0, $4  }
0x16: {  	s0 =	simm.s32 $0x6;
	s25 =	sadd.s32 $0x30, s10;
	[dreg:$0xa] =	wrdreg s24  }
0x17: {  	s19 =	simm.s32 $0x80;
	s11 =	simm.s32 $0x8;
	[dreg:$0xb] =	wrdreg s25  }
0x18: {  	s20 =	simm.s32 $0x400;
	s21 =	simm.s32 $0x9;
	s22 =	simm.s32 $0x1000  }
0x19: {  	s23 =	simm.s32 $0x11000;
	s25 =	simm.s32 $0x12000;
	s24 =	simm.s32 $0x7  }
.LBB2_12:
0x1a: {  	_ =	swait.ge [sflag:s31], $0x1000  }
0x1b: {  	[sflag:s31] =	ssyncset.done $0x0  }
0x1c: {  	[sflag:s31] =	ssyncadd.s32 $0xFFFFF000  }
0x1d: {  	_ =	swait.ge [sflag:s0], $0x1000  }
0x1e: {  	[sflag:s0] =	ssyncset.done $0x0  }
0x1f: {  	[sflag:s0] =	ssyncadd.s32 $0xFFFFF000  }
0x20: {  	_ =	swait.ge [sflag:s24], $0x1000  }
0x21: {  	[sflag:s24] =	ssyncset.done $0x0  }
0x22: {  	[sflag:s24] =	ssyncadd.s32 $0xFFFFF000  }
0x23: {  	_ =	swait.ge [sflag:s11], $0x1000  }
0x24: {  	s12 =	sadd.s32 $0x1, s12;
	s9 =	rddreg [dreg:$0xc]  }
0x25: {  	p0 =	sne.s32 s12, s9  }
.Ltmp1:
0x26: {  	_ = 	snop;
	(pc) =	sbr.rel @!p0 .LBB2_13-.Ltmp1, $3  }
0x27: {  	_ =	sdelay $0x1  }
0x28: {  	[sflag:s11] =	ssyncset.done $0x0  }
0x29: {  	[sflag:s11] =	ssyncadd.s32 $0xFFFFF000  }
.LBB2_1:
0x2a: {  	s9 =	simm.s32 $0x0;
	s13 =	rddreg [dreg:$0x5]  }
0x2b: {  	[tilespmem:s9], [sflag:$0x9] =	stream.strided.gather [hbm4b:s13+s19], $0x1000, s20, s19, $0x38;
	[tilespmem:$0x15000] =	vst v63  }
0x2c: {  	_ =	swait.ge [sflag:s21], $0x1000  }
0x2d: {  	[sflag:s21] =	ssyncset.done $0x0  }
0x2e: {  	s16 =	rddreg [dreg:$0x4];
	[sflag:s21] =	ssyncadd.s32 $0xFFFFF000  }
0x2f: {  	[tilespmem:s22], [sflag:$0x1] =	stream.strided.gather [hbm4b:s16+s19], $0x4000, s20, s19, $0x38;
	[tilespmem:$0x15000] =	vst v63  }
0x30: {  	_ = 	snop  }
0x31: {  	[hbm4b:s10+s19] =	stream.strided.scatter [tilespmem:s23], [sflag:$0x5], $0x1000, s20, s19, $0x38;
	[tilespmem:$0x15000] =	vst v63  }
0x32: {  	s18 =	simm.s32 $0x5000;
	s17 =	rddreg [dreg:$0x6]  }
0x33: {  	[tilespmem:s18], [sflag:$0x2] =	stream.strided.gather [hbm4b:s17+s19], $0x4000, s20, s19, $0x38;
	[tilespmem:$0x15000] =	vst v63  }
0x34: {  	s13 =	rddreg [dreg:$0x7]  }
0x35: {  	[hbm4b:s13+s19] =	stream.strided.scatter [tilespmem:s25], [sflag:$0x6], $0x1000, s20, s19, $0x38;
	[tilespmem:$0x15000] =	vst v63  }
0x36: {  	s15 =	simm.s32 $0x9000;
	s14 =	rddreg [dreg:$0x8]  }
0x37: {  	[tilespmem:s15], [sflag:$0x3] =	stream.strided.gather [hbm4b:s14+s19], $0x4000, s20, s19, $0x38;
	[tilespmem:$0x15000] =	vst v63  }
0x38: {  	s16 =	rddreg [dreg:$0x9]  }
0x39: {  	[hbm4b:s16+s19] =	stream.strided.scatter [tilespmem:s28], [sflag:$0x7], $0x1000, s20, s19, $0x38;
	[tilespmem:$0x15000] =	vst v63  }
0x3a: {  	s17 =	rddreg [dreg:$0xa]  }
0x3b: {  	[tilespmem:s29], [sflag:$0x4] =	stream.strided.gather [hbm4b:s17+s19], $0x4000, s20, s19, $0x38;
	[tilespmem:$0x15000] =	vst v63  }
0x3c: {  	s18 =	rddreg [dreg:$0xb];
	s13 =	simm.s32 $0x0  }
0x3d: {  	[hbm4b:s18+s19] =	stream.strided.scatter [tilespmem:s30], [sflag:$0x8], $0x1000, s20, s19, $0x38;
	[tilespmem:$0x15000] =	vst v63  }
.LBB2_2:
0x3e: {  	_ =	swait.ge [sflag:s5], $0x4000  }
0x3f: {  	[sflag:s5] =	ssyncset.done $0x0  }
0x40: {  	[sflag:s5] =	ssyncadd.s32 $0xFFFFC000  }
0x41: {  	_ =	swait.ge [sflag:s31], $0x1000  }
0x42: {  	[sflag:s31] =	ssyncset.done $0x0  }
0x43: {  	s9 =	simm.s32 $0x40;
	[sflag:s31] =	ssyncadd.s32 $0xFFFFF000  }
0x44: {  	v0 =	vld [tilespmem:s9+$0x30]  }
0x45: {  	v1 =	vld [tilespmem:s9+$0xFFFFFFD0]  }
0x46: {  	v2 =	vld [tilespmem:s9+$0xFFFFFFE0]  }
0x47: {  	v3 =	vld [tilespmem:s9+$0xFFFFFFF0]  }
0x48: {  	v4 =	vld [tilespmem:s9+$0x0]  }
0x49: {  	v5 =	vld [tilespmem:s9+$0x10]  }
0x4a: {  	v6 =	vld [tilespmem:s9+$0x20]  }
0x4b: {  	v7 =	vld [tilespmem:s9+$0xFFFFFFC0]  }
0x4c: {  	s14 =	sshll.u32 s13, $0x2;
	v8 =	vld.idx.msk [tilespmem:v0+s22+$0x0], $0xffff  }
0x4d: {  	s18 =	sadd.s32 s6, s14;
	v9 =	vld.idx.msk [tilespmem:v1+s22+$0x0], $0xffff  }
0x4e: {  	s15 =	sshll.u32 s13, $0x9;
	s9 =	sshll.u32 s18, $0xC;
	v0 =	vld.idx.msk [tilespmem:v2+s22+$0x0], $0xffff  }
0x4f: {  	s15 =	sand.u32 $0x200, s15;
	s9 =	sand.u32 $0xF8000, s9;
	v1 =	vld.idx.msk [tilespmem:v3+s22+$0x0], $0xffff  }
0x50: {  	s9 =	sor.u32 s9, s15;
	v2 =	vld.idx.msk [tilespmem:v4+s22+$0x0], $0xffff  }
0x51: {  	s16 =	simm.s32 $0x11040;
	s9 =	sor.u32 s8, s9;
	v3 =	vld.idx.msk [tilespmem:v5+s22+$0x0], $0xffff  }
0x52: {  	s15 =	sshrl.u32 s9, $0x3;
	v4 =	vld.idx.msk [tilespmem:v6+s22+$0x0], $0xffff;
	[tilespmem:s16+$0x30] =	vst v8  }
0x53: {  	s18 =	simm.s32 $0xC0;
	s9 =	simm.s32 $0x0;
	s17 =	sadd.s32 s3, s15;
	v5 =	vld.idx.msk [tilespmem:v7+s22+$0x0], $0xffff;
	[tilespmem:s16+$0xFFFFFFD0] =	vst v9  }
.LBB2_3:
0x54: {  	v6 =	vld [tilespmem:s18+$0x30];
	s9 =	sadd.s32 $0x8, s9;
	[tilespmem:s16+$0xFFFFFFE0] =	vst v0  }
0x55: {  	v0 =	vld [tilespmem:s18+$0xFFFFFFD0];
	p0 =	slt.u32 s9, $0xF8;
	[tilespmem:s16+$0xFFFFFFF0] =	vst v1  }
0x56: {  	v1 =	vld [tilespmem:s18+$0xFFFFFFE0];
	[tilespmem:s16+$0x0] =	vst v2  }
0x57: {  	v2 =	vld [tilespmem:s18+$0xFFFFFFF0];
	[tilespmem:s16+$0x10] =	vst v3  }
0x58: {  	v3 =	vld [tilespmem:s18+$0x0];
	[tilespmem:s16+$0x20] =	vst v4  }
0x59: {  	v4 =	vld [tilespmem:s18+$0x10];
	[tilespmem:s16+$0xFFFFFFC0] =	vst v5  }
0x5a: {  	v5 =	vld [tilespmem:s18+$0x20]  }
0x5b: {  	v7 =	vld [tilespmem:s18+$0xFFFFFFC0]  }
0x5c: {  	v6 =	vld.idx.msk [tilespmem:v6+s22+$0x0], $0xffff  }
0x5d: {  	v8 =	vld.idx.msk [tilespmem:v0+s22+$0x0], $0xffff  }
0x5e: {  	v0 =	vld.idx.msk [tilespmem:v1+s22+$0x0], $0xffff  }
.Ltmp2:
0x5f: {  	v1 =	vld.idx.msk [tilespmem:v2+s22+$0x0], $0xffff;
	(pc) =	sbr.rel @p0 .LBB2_3-.Ltmp2, $4  }
0x60: {  	v2 =	vld.idx.msk [tilespmem:v3+s22+$0x0], $0xffff  }
0x61: {  	s16 =	sadd.s32 $0x80, s16;
	v3 =	vld.idx.msk [tilespmem:v4+s22+$0x0], $0xffff  }
0x62: {  	v4 =	vld.idx.msk [tilespmem:v5+s22+$0x0], $0xffff;
	[tilespmem:s16+$0x30] =	vst v6  }
0x63: {  	s18 =	sadd.s32 $0x80, s18;
	v5 =	vld.idx.msk [tilespmem:v7+s22+$0x0], $0xffff;
	[tilespmem:s16+$0xFFFFFFD0] =	vst v8  }
0x64: {  	[tilespmem:s16+$0xFFFFFFE0] =	vst v0  }
0x65: {  	[tilespmem:s16+$0xFFFFFFF0] =	vst v1  }
0x66: {  	[tilespmem:s16+$0x0] =	vst v2  }
0x67: {  	p0 =	seq.s32 s13, $0x1F;
	[tilespmem:s16+$0x10] =	vst v3  }
0x68: {  	s9 =	sadd.s32 @!p0 $0x4, s14;
	[tilespmem:s16+$0x20] =	vst v4  }
0x69: {  	[tilespmem:s16+$0xFFFFFFC0] =	vst v5;
	s16 =	sadd.s32 @!p0 s6, s9  }
0x6a: {  	[hbm4b:s17+s19] =	stream.strided.scatter [tilespmem:s23], [sflag:$0x5], $0x1000, s20, s19, $0x38;
	[tilespmem:$0x15000] =	vst v63  }
0x6b: {  	s16 =	sshll.u32 @!p0 s16, $0xE  }
0x6c: {  	s9 =	sshll.u32 @!p0 s9, $0x7;
	s16 =	sand.u32 @!p0 $0x7E0000, s16  }
0x6d: {  	s9 =	sand.u32 @!p0 $0x200, s9;
	s16 =	sadd.s32 @!p0 s7, s16  }
0x6e: {  	s9 =	sor.u32 @!p0 s9, s16  }
0x6f: {  	s18 =	simm.s32 @!p0 $0x1000;
	s9 =	sshrl.u32 @!p0 s9, $0x3  }
0x70: {  	s17 =	simm.s32 @!p0 $0x400;
	s16 =	simm.s32 @!p0 $0x80;
	s9 =	sadd.s32 @!p0 s1, s9  }
0x71: {  	[tilespmem:s18], [sflag:$0x1] =	stream.strided.gather @!p0 [hbm4b:s9+s16], $0x4000, s17, s16, $0x38;
	[tilespmem:$0x15000] =	vst v63  }
0x72: {  	_ =	swait.ge [sflag:s2], $0x4000  }
0x73: {  	[sflag:s2] =	ssyncset.done $0x0  }
0x74: {  	[sflag:s2] =	ssyncadd.s32 $0xFFFFC000  }
0x75: {  	_ =	swait.ge [sflag:s0], $0x1000  }
0x76: {  	[sflag:s0] =	ssyncset.done $0x0  }
0x77: {  	s18 =	simm.s32 $0x40;
	[sflag:s0] =	ssyncadd.s32 $0xFFFFF000  }
0x78: {  	v0 =	vld [tilespmem:s18+$0x30]  }
0x79: {  	v1 =	vld [tilespmem:s18+$0xFFFFFFD0]  }
0x7a: {  	v2 =	vld [tilespmem:s18+$0xFFFFFFE0]  }
0x7b: {  	v3 =	vld [tilespmem:s18+$0xFFFFFFF0]  }
0x7c: {  	v4 =	vld [tilespmem:s18+$0x0]  }
0x7d: {  	v5 =	vld [tilespmem:s18+$0x10];
	v0 =	vadd.s32 $0x4000, v0  }
0x7e: {  	v1 =	vadd.s32 $0x4000, v1  }
0x7f: {  	v2 =	vadd.s32 $0x4000, v2  }
0x80: {  	v7 =	vld [tilespmem:s18+$0x20];
	v3 =	vadd.s32 $0x4000, v3  }
0x81: {  	v8 =	vld [tilespmem:s18+$0xFFFFFFC0];
	v9 =	vadd.s32 $0x4000, v4  }
0x82: {  	v10 =	vadd.s32 $0x4000, v5;
	v6 =	vld.idx.msk [tilespmem:v0+s22+$0x0], $0xffff  }
0x83: {  	v4 =	vld.idx.msk [tilespmem:v1+s22+$0x0], $0xffff  }
0x84: {  	v5 =	vld.idx.msk [tilespmem:v2+s22+$0x0], $0xffff  }
0x85: {  	s15 =	sadd.s32 s15, s3;
	v2 =	vld.idx.msk [tilespmem:v3+s22+$0x0], $0xffff  }
0x86: {  	s16 =	sadd.s32 $0x10, s15;
	v3 =	vld.idx.msk [tilespmem:v9+s22+$0x0], $0xffff  }
0x87: {  	s17 =	simm.s32 $0x12070;
	s9 =	simm.s32 $0xC0;
	s18 =	simm.s32 $0x0;
	v0 =	vadd.s32 $0x4000, v7;
	v1 =	vadd.s32 $0x4000, v8;
	v7 =	vld.idx.msk [tilespmem:v10+s22+$0x0], $0xffff  }
.LBB2_5:
0x88: {  	v8 =	vld [tilespmem:s9+$0x30];
	s18 =	sadd.s32 $0x8, s18;
	[tilespmem:s17+$0x0] =	vst v6  }
0x89: {  	v6 =	vld [tilespmem:s9+$0xFFFFFFD0];
	p1 =	slt.u32 s18, $0xF8;
	[tilespmem:s17+$0xFFFFFFA0] =	vst v4  }
0x8a: {  	v4 =	vld [tilespmem:s9+$0xFFFFFFE0];
	[tilespmem:s17+$0xFFFFFFB0] =	vst v5  }
0x8b: {  	v5 =	vld [tilespmem:s9+$0xFFFFFFF0];
	[tilespmem:s17+$0xFFFFFFC0] =	vst v2  }
0x8c: {  	v2 =	vld [tilespmem:s9+$0x0];
	[tilespmem:s17+$0xFFFFFFD0] =	vst v3  }
0x8d: {  	v3 =	vld [tilespmem:s9+$0x10];
	v8 =	vadd.s32 $0x4000, v8;
	[tilespmem:s17+$0xFFFFFFE0] =	vst v7  }
0x8e: {  	v7 =	vadd.s32 $0x4000, v6;
	v9 =	vld [tilespmem:s9+$0x20]  }
0x8f: {  	v10 =	vld [tilespmem:s9+$0xFFFFFFC0];
	v11 =	vadd.s32 $0x4000, v4  }
0x90: {  	v12 =	vadd.s32 $0x4000, v5;
	v13 =	vld.idx.msk [tilespmem:v1+s22+$0x0], $0xffff  }
0x91: {  	v14 =	vadd.s32 $0x4000, v2;
	v15 =	vld.idx.msk [tilespmem:v0+s22+$0x0], $0xffff  }
0x92: {  	v16 =	vadd.s32 $0x4000, v3;
	v6 =	vld.idx.msk [tilespmem:v8+s22+$0x0], $0xffff  }
.Ltmp3:
0x93: {  	v4 =	vld.idx.msk [tilespmem:v7+s22+$0x0], $0xffff;
	v0 =	vadd.s32 $0x4000, v9;
	(pc) =	sbr.rel @p1 .LBB2_5-.Ltmp3, $4  }
0x94: {  	v1 =	vadd.s32 $0x4000, v10;
	v5 =	vld.idx.msk [tilespmem:v11+s22+$0x0], $0xffff  }
0x95: {  	v2 =	vld.idx.msk [tilespmem:v12+s22+$0x0], $0xffff  }
0x96: {  	v3 =	vld.idx.msk [tilespmem:v14+s22+$0x0], $0xffff;
	[tilespmem:s17+$0xFFFFFF90] =	vst v13  }
0x97: {  	s9 =	sadd.s32 $0x80, s9;
	v7 =	vld.idx.msk [tilespmem:v16+s22+$0x0], $0xffff;
	[tilespmem:s17+$0xFFFFFFF0] =	vst v15;
	s17 =	sadd.s32 $0x80, s17  }
0x98: {  	_ =	sdelay $0x2  }
0x99: {  	[tilespmem:s17+$0x0] =	vst v6  }
0x9a: {  	[tilespmem:s17+$0xFFFFFFA0] =	vst v4;
	v1 =	vld.idx.msk [tilespmem:v1+s22+$0x0], $0xffff  }
0x9b: {  	v0 =	vld.idx.msk [tilespmem:v0+s22+$0x0], $0xffff;
	[tilespmem:s17+$0xFFFFFFB0] =	vst v5  }
0x9c: {  	[tilespmem:s17+$0xFFFFFFC0] =	vst v2  }
0x9d: {  	[tilespmem:s17+$0xFFFFFFD0] =	vst v3  }
0x9e: {  	[tilespmem:s17+$0xFFFFFFE0] =	vst v7  }
0x9f: {  	[tilespmem:s17+$0xFFFFFF90] =	vst v1  }
0xa0: {  	s9 =	sadd.s32 @!p0 $0x5, s14;
	[tilespmem:s17+$0xFFFFFFF0] =	vst v0  }
0xa1: {  	[hbm4b:s16+s19] =	stream.strided.scatter [tilespmem:s25], [sflag:$0x6], $0x1000, s20, s19, $0x38;
	[tilespmem:$0x15000] =	vst v63  }
0xa2: {  	s16 =	sadd.s32 @!p0 s6, s9  }
0xa3: {  	s16 =	sshll.u32 @!p0 s16, $0xE  }
0xa4: {  	s9 =	sshll.u32 @!p0 s9, $0x7;
	s16 =	sand.u32 @!p0 $0x7E0000, s16  }
0xa5: {  	s9 =	sand.u32 @!p0 $0x280, s9;
	s16 =	sadd.s32 @!p0 s7, s16  }
0xa6: {  	s9 =	sor.u32 @!p0 s9, s16  }
0xa7: {  	s18 =	simm.s32 @!p0 $0x5000;
	s9 =	sshrl.u32 @!p0 s9, $0x3  }
0xa8: {  	s17 =	simm.s32 @!p0 $0x400;
	s16 =	simm.s32 @!p0 $0x80;
	s9 =	sadd.s32 @!p0 s1, s9  }
0xa9: {  	[tilespmem:s18], [sflag:$0x2] =	stream.strided.gather @!p0 [hbm4b:s9+s16], $0x4000, s17, s16, $0x38;
	[tilespmem:$0x15000] =	vst v63  }
0xaa: {  	_ =	swait.ge [sflag:s4], $0x4000  }
0xab: {  	[sflag:s4] =	ssyncset.done $0x0  }
0xac: {  	[sflag:s4] =	ssyncadd.s32 $0xFFFFC000  }
0xad: {  	_ =	swait.ge [sflag:s24], $0x1000  }
0xae: {  	[sflag:s24] =	ssyncset.done $0x0  }
0xaf: {  	s18 =	simm.s32 $0x40;
	[sflag:s24] =	ssyncadd.s32 $0xFFFFF000  }
0xb0: {  	v0 =	vld [tilespmem:s18+$0x30]  }
0xb1: {  	v1 =	vld [tilespmem:s18+$0xFFFFFFD0]  }
0xb2: {  	v2 =	vld [tilespmem:s18+$0xFFFFFFE0]  }
0xb3: {  	v3 =	vld [tilespmem:s18+$0xFFFFFFF0]  }
0xb4: {  	v4 =	vld [tilespmem:s18+$0x0]  }
0xb5: {  	v5 =	vld [tilespmem:s18+$0x10];
	v0 =	vadd.s32 $0x8000, v0  }
0xb6: {  	v1 =	vadd.s32 $0x8000, v1  }
0xb7: {  	v2 =	vadd.s32 $0x8000, v2  }
0xb8: {  	v6 =	vld [tilespmem:s18+$0x20];
	v3 =	vadd.s32 $0x8000, v3  }
0xb9: {  	v8 =	vld [tilespmem:s18+$0xFFFFFFC0];
	v9 =	vadd.s32 $0x8000, v4  }
0xba: {  	v10 =	vadd.s32 $0x8000, v5;
	v7 =	vld.idx.msk [tilespmem:v0+s22+$0x0], $0xffff  }
0xbb: {  	v4 =	vld.idx.msk [tilespmem:v1+s22+$0x0], $0xffff  }
0xbc: {  	v5 =	vld.idx.msk [tilespmem:v2+s22+$0x0], $0xffff  }
0xbd: {  	v2 =	vld.idx.msk [tilespmem:v3+s22+$0x0], $0xffff  }
0xbe: {  	s16 =	sadd.s32 $0x20, s15;
	v3 =	vld.idx.msk [tilespmem:v9+s22+$0x0], $0xffff  }
0xbf: {  	s17 =	simm.s32 $0x13070;
	s9 =	simm.s32 $0xC0;
	s18 =	simm.s32 $0x0;
	v0 =	vadd.s32 $0x8000, v6;
	v1 =	vadd.s32 $0x8000, v8;
	v6 =	vld.idx.msk [tilespmem:v10+s22+$0x0], $0xffff  }
.LBB2_7:
0xc0: {  	v8 =	vld [tilespmem:s9+$0x30];
	s18 =	sadd.s32 $0x8, s18;
	[tilespmem:s17+$0x0] =	vst v7  }
0xc1: {  	v7 =	vld [tilespmem:s9+$0xFFFFFFD0];
	p1 =	slt.u32 s18, $0xF8;
	[tilespmem:s17+$0xFFFFFFA0] =	vst v4  }
0xc2: {  	v4 =	vld [tilespmem:s9+$0xFFFFFFE0];
	[tilespmem:s17+$0xFFFFFFB0] =	vst v5  }
0xc3: {  	v5 =	vld [tilespmem:s9+$0xFFFFFFF0];
	[tilespmem:s17+$0xFFFFFFC0] =	vst v2  }
0xc4: {  	v2 =	vld [tilespmem:s9+$0x0];
	[tilespmem:s17+$0xFFFFFFD0] =	vst v3  }
0xc5: {  	v3 =	vld [tilespmem:s9+$0x10];
	v8 =	vadd.s32 $0x8000, v8;
	[tilespmem:s17+$0xFFFFFFE0] =	vst v6  }
0xc6: {  	v6 =	vadd.s32 $0x8000, v7;
	v9 =	vld [tilespmem:s9+$0x20]  }
0xc7: {  	v10 =	vld [tilespmem:s9+$0xFFFFFFC0];
	v11 =	vadd.s32 $0x8000, v4  }
0xc8: {  	v12 =	vadd.s32 $0x8000, v5;
	v13 =	vld.idx.msk [tilespmem:v1+s22+$0x0], $0xffff  }
0xc9: {  	v14 =	vadd.s32 $0x8000, v2;
	v15 =	vld.idx.msk [tilespmem:v0+s22+$0x0], $0xffff  }
0xca: {  	v16 =	vadd.s32 $0x8000, v3;
	v7 =	vld.idx.msk [tilespmem:v8+s22+$0x0], $0xffff  }
.Ltmp4:
0xcb: {  	v4 =	vld.idx.msk [tilespmem:v6+s22+$0x0], $0xffff;
	v0 =	vadd.s32 $0x8000, v9;
	(pc) =	sbr.rel @p1 .LBB2_7-.Ltmp4, $4  }
0xcc: {  	v1 =	vadd.s32 $0x8000, v10;
	v5 =	vld.idx.msk [tilespmem:v11+s22+$0x0], $0xffff  }
0xcd: {  	v2 =	vld.idx.msk [tilespmem:v12+s22+$0x0], $0xffff  }
0xce: {  	v3 =	vld.idx.msk [tilespmem:v14+s22+$0x0], $0xffff;
	[tilespmem:s17+$0xFFFFFF90] =	vst v13  }
0xcf: {  	s9 =	sadd.s32 $0x80, s9;
	v6 =	vld.idx.msk [tilespmem:v16+s22+$0x0], $0xffff;
	[tilespmem:s17+$0xFFFFFFF0] =	vst v15;
	s17 =	sadd.s32 $0x80, s17  }
0xd0: {  	_ =	sdelay $0x2  }
0xd1: {  	[tilespmem:s17+$0x0] =	vst v7  }
0xd2: {  	[tilespmem:s17+$0xFFFFFFA0] =	vst v4;
	v1 =	vld.idx.msk [tilespmem:v1+s22+$0x0], $0xffff  }
0xd3: {  	v0 =	vld.idx.msk [tilespmem:v0+s22+$0x0], $0xffff;
	[tilespmem:s17+$0xFFFFFFB0] =	vst v5  }
0xd4: {  	[tilespmem:s17+$0xFFFFFFC0] =	vst v2  }
0xd5: {  	[tilespmem:s17+$0xFFFFFFD0] =	vst v3  }
0xd6: {  	[tilespmem:s17+$0xFFFFFFE0] =	vst v6  }
0xd7: {  	[tilespmem:s17+$0xFFFFFF90] =	vst v1  }
0xd8: {  	s9 =	sadd.s32 @!p0 $0x6, s14;
	[tilespmem:s17+$0xFFFFFFF0] =	vst v0  }
0xd9: {  	[hbm4b:s16+s19] =	stream.strided.scatter [tilespmem:s28], [sflag:$0x7], $0x1000, s20, s19, $0x38;
	[tilespmem:$0x15000] =	vst v63  }
0xda: {  	s16 =	sadd.s32 @!p0 s6, s9  }
0xdb: {  	s16 =	sshll.u32 @!p0 s16, $0xE  }
0xdc: {  	s9 =	sshll.u32 @!p0 s9, $0x7;
	s16 =	sand.u32 @!p0 $0x7E0000, s16  }
0xdd: {  	s9 =	sand.u32 @!p0 $0x300, s9;
	s16 =	sadd.s32 @!p0 s7, s16  }
0xde: {  	s9 =	sor.u32 @!p0 s9, s16  }
0xdf: {  	s18 =	simm.s32 @!p0 $0x9000;
	s9 =	sshrl.u32 @!p0 s9, $0x3  }
0xe0: {  	s17 =	simm.s32 @!p0 $0x400;
	s16 =	simm.s32 @!p0 $0x80;
	s9 =	sadd.s32 @!p0 s1, s9  }
0xe1: {  	[tilespmem:s18], [sflag:$0x3] =	stream.strided.gather @!p0 [hbm4b:s9+s16], $0x4000, s17, s16, $0x38;
	[tilespmem:$0x15000] =	vst v63  }
0xe2: {  	_ =	swait.ge [sflag:s26], $0x4000  }
0xe3: {  	[sflag:s26] =	ssyncset.done $0x0  }
0xe4: {  	[sflag:s26] =	ssyncadd.s32 $0xFFFFC000  }
0xe5: {  	_ =	swait.ge [sflag:s11], $0x1000  }
0xe6: {  	[sflag:s11] =	ssyncset.done $0x0  }
0xe7: {  	s18 =	simm.s32 $0x40;
	[sflag:s11] =	ssyncadd.s32 $0xFFFFF000  }
0xe8: {  	v0 =	vld [tilespmem:s18+$0x30]  }
0xe9: {  	v1 =	vld [tilespmem:s18+$0xFFFFFFD0]  }
0xea: {  	v2 =	vld [tilespmem:s18+$0xFFFFFFE0]  }
0xeb: {  	v3 =	vld [tilespmem:s18+$0xFFFFFFF0]  }
0xec: {  	v4 =	vld [tilespmem:s18+$0x0]  }
0xed: {  	v5 =	vld [tilespmem:s18+$0x10];
	v0 =	vadd.s32 $0xC000, v0  }
0xee: {  	v1 =	vadd.s32 $0xC000, v1  }
0xef: {  	v2 =	vadd.s32 $0xC000, v2  }
0xf0: {  	v6 =	vld [tilespmem:s18+$0x20];
	v3 =	vadd.s32 $0xC000, v3  }
0xf1: {  	v8 =	vld [tilespmem:s18+$0xFFFFFFC0];
	v9 =	vadd.s32 $0xC000, v4  }
0xf2: {  	v10 =	vadd.s32 $0xC000, v5;
	v7 =	vld.idx.msk [tilespmem:v0+s22+$0x0], $0xffff  }
0xf3: {  	v4 =	vld.idx.msk [tilespmem:v1+s22+$0x0], $0xffff  }
0xf4: {  	v5 =	vld.idx.msk [tilespmem:v2+s22+$0x0], $0xffff  }
0xf5: {  	v2 =	vld.idx.msk [tilespmem:v3+s22+$0x0], $0xffff  }
0xf6: {  	s15 =	sadd.s32 $0x30, s15;
	v3 =	vld.idx.msk [tilespmem:v9+s22+$0x0], $0xffff  }
0xf7: {  	s16 =	simm.s32 $0x14070;
	s17 =	simm.s32 $0x0;
	s9 =	simm.s32 $0xC0;
	v0 =	vadd.s32 $0xC000, v6;
	v1 =	vadd.s32 $0xC000, v8;
	v6 =	vld.idx.msk [tilespmem:v10+s22+$0x0], $0xffff  }
.LBB2_9:
0xf8: {  	v8 =	vld [tilespmem:s9+$0x30];
	s17 =	sadd.s32 $0x8, s17;
	[tilespmem:s16+$0x0] =	vst v7  }
0xf9: {  	v7 =	vld [tilespmem:s9+$0xFFFFFFD0];
	p1 =	slt.u32 s17, $0xF8;
	[tilespmem:s16+$0xFFFFFFA0] =	vst v4  }
0xfa: {  	v4 =	vld [tilespmem:s9+$0xFFFFFFE0];
	[tilespmem:s16+$0xFFFFFFB0] =	vst v5  }
0xfb: {  	v5 =	vld [tilespmem:s9+$0xFFFFFFF0];
	[tilespmem:s16+$0xFFFFFFC0] =	vst v2  }
0xfc: {  	v2 =	vld [tilespmem:s9+$0x0];
	[tilespmem:s16+$0xFFFFFFD0] =	vst v3  }
0xfd: {  	v3 =	vld [tilespmem:s9+$0x10];
	v8 =	vadd.s32 $0xC000, v8;
	[tilespmem:s16+$0xFFFFFFE0] =	vst v6  }
0xfe: {  	v6 =	vadd.s32 $0xC000, v7;
	v9 =	vld [tilespmem:s9+$0x20]  }
0xff: {  	v10 =	vld [tilespmem:s9+$0xFFFFFFC0];
	v11 =	vadd.s32 $0xC000, v4  }
0x100: {  	v12 =	vadd.s32 $0xC000, v5;
	v13 =	vld.idx.msk [tilespmem:v1+s22+$0x0], $0xffff  }
0x101: {  	v14 =	vadd.s32 $0xC000, v2;
	v15 =	vld.idx.msk [tilespmem:v0+s22+$0x0], $0xffff  }
0x102: {  	v16 =	vadd.s32 $0xC000, v3;
	v7 =	vld.idx.msk [tilespmem:v8+s22+$0x0], $0xffff  }
.Ltmp5:
0x103: {  	v4 =	vld.idx.msk [tilespmem:v6+s22+$0x0], $0xffff;
	v0 =	vadd.s32 $0xC000, v9;
	(pc) =	sbr.rel @p1 .LBB2_9-.Ltmp5, $4  }
0x104: {  	v1 =	vadd.s32 $0xC000, v10;
	v5 =	vld.idx.msk [tilespmem:v11+s22+$0x0], $0xffff  }
0x105: {  	v2 =	vld.idx.msk [tilespmem:v12+s22+$0x0], $0xffff  }
0x106: {  	v3 =	vld.idx.msk [tilespmem:v14+s22+$0x0], $0xffff;
	[tilespmem:s16+$0xFFFFFF90] =	vst v13  }
0x107: {  	s9 =	sadd.s32 $0x80, s9;
	v6 =	vld.idx.msk [tilespmem:v16+s22+$0x0], $0xffff;
	[tilespmem:s16+$0xFFFFFFF0] =	vst v15;
	s16 =	sadd.s32 $0x80, s16  }
0x108: {  	_ =	sdelay $0x2  }
0x109: {  	[tilespmem:s16+$0x0] =	vst v7  }
0x10a: {  	[tilespmem:s16+$0xFFFFFFA0] =	vst v4;
	v1 =	vld.idx.msk [tilespmem:v1+s22+$0x0], $0xffff  }
0x10b: {  	v0 =	vld.idx.msk [tilespmem:v0+s22+$0x0], $0xffff;
	[tilespmem:s16+$0xFFFFFFB0] =	vst v5  }
0x10c: {  	[tilespmem:s16+$0xFFFFFFC0] =	vst v2  }
.Ltmp6:
0x10d: {  	[tilespmem:s16+$0xFFFFFFD0] =	vst v3;
	(pc) =	sbr.rel @p0 .LBB2_12-.Ltmp6, $4  }
0x10e: {  	[tilespmem:s16+$0xFFFFFFE0] =	vst v6  }
0x10f: {  	[tilespmem:s16+$0xFFFFFF90] =	vst v1  }
0x110: {  	[tilespmem:s16+$0xFFFFFFF0] =	vst v0  }
0x111: {  	[hbm4b:s15+s19] =	stream.strided.scatter [tilespmem:s30], [sflag:$0x8], $0x1000, s20, s19, $0x38;
	[tilespmem:$0x15000] =	vst v63  }
0x112: {  	s9 =	sadd.s32 $0x7, s14  }
0x113: {  	s14 =	sadd.s32 s6, s9  }
0x114: {  	s14 =	sshll.u32 s14, $0xE  }
0x115: {  	s9 =	sshll.u32 s9, $0x7;
	s14 =	sand.u32 $0x7E0000, s14  }
.Ltmp7:
0x116: {  	s9 =	sand.u32 $0x380, s9;
	s14 =	sadd.s32 s7, s14;
	(pc) =	sbr.rel .LBB2_2-.Ltmp7, $4  }
0x117: {  	s9 =	sor.u32 s9, s14  }
0x118: {  	s9 =	sshrl.u32 s9, $0x3  }
0x119: {  	s13 =	sadd.s32 $0x1, s13;
	s9 =	sadd.s32 s1, s9  }
0x11a: {  	[tilespmem:s29], [sflag:$0x4] =	stream.strided.gather [hbm4b:s9+s19], $0x4000, s20, s19, $0x38;
	[tilespmem:$0x15000] =	vst v63  }
.LBB2_13:
0x11b: {  	_ =	sfence.sel $0x180000  }
0x11c: {  	[bflag:$0x0] =	sbarrier.arrive $0xFFFF  }
0x11d: {  	_ =	strace $0x90000047  }
0x11e: {  	s0 =	stileid.u32;
	[bflag:$0x2] =	sbarrier.arrive $0xFFFF  }
0x11f: {  	p0 =	sne.s32 s0, $0x0;
	s0 =	rddreg [dreg:$0x3]  }
0x120: {  	s0 =	sadd.s32 @!p0 $0x100000, s0  }
0x121: {  	[sflag:s0] =	ssyncadd.tile.s32 @!p0 $0x1;
	_ =	shalt  }
.Lfunc_end2:
_tile_overlayer_lowered:
.L_overlay_start_2:
0x122: {  	(tag) =	ssettag $0x2  }
0x123: {  	s0 =	rddreg [dreg:$0x0];
	s2 =	stileid.u32  }
0x124: {  	s1 =	rddreg [dreg:$0x1];
	p0 =	sne.s32 s2, $0x0  }
0x125: {  	s3 =	rddreg [dreg:$0x2];
	[bflag:$0x3] =	sbarrier.arrive $0xFFFF;
	s2 =	simm.s32 @!p0 $0x1C09  }
0x126: {  	[timem:s3], [sflag:s2] =	dma.local @!p0 [hbm:s0], s1  }
0x127: {  	s0 =	simm.s32 @!p0 $0x9  }
0x128: {  	_ =	swait.ge @!p0 [sflag:s0], s1  }
0x129: {  	s1 =	ssub.s32 @!p0 $0x0, s1;
	[sflag:s0] =	ssyncset.done @!p0 $0x0  }
0x12a: {  	[sflag:s0] =	ssyncadd.s32 @!p0 s1  }
0x12b: {  	[bflag:$0x3] =	sbarrier.arrive $0xFFFF  }
0x12c: {  	_ =	shalt  }

</sc_bundles>
